<compile_context>
chip_gen: v7x
topology: tpu7x:2x2x1
jax: 0.10.2.dev20260603
libtpu: 0.0.44.dev20260713+nightly
codegen_flags: <defaults>
</compile_context>

<pallas_src>
import jax
import jax.numpy as jnp
from jax import lax
from jax.experimental import pallas as pl
from jax.experimental.pallas import tpu as pltpu
from jax.experimental.pallas import tpu_sc as plsc

N = 20000
NPAD = 20480
BS = 80
NB = NPAD // BS
NG = NB // 16
BV = BS // 16
K = 300
KPAD = 320
THR = 0.7
NEG = -1.0e31
VTH = -1.0e30
EPS = 1e-9
L = 16
TILES = 16
CHUNK = NPAD // TILES
NBT = CHUNK // BS


def _iota():
    return lax.iota(jnp.int32, L)


def _nms_body(scores_hbm, ay1_hbm, ax1_hbm, ay2_hbm, ax2_hbm,
              dy_hbm, dx_hbm, dh_hbm, dw_hbm, hw_hbm, out_hbm,
              iay1, iax1, iay2, iax2, idy, idx_, idh, idw,
              y1l, x1l, y2l, x2l, scl, bml,
              spm_y1, spm_x1, spm_y2, spm_x2, spm_bm,
              scores_v, by1, bx1, by2, bx2, bm_v, bm2_v,
              acc_y1, acc_x1, acc_y2, acc_x2, acc_ar, outf, hw_v,
              sem_s, sem_1, sem_2, sem_3, sem_4, sem_5):
    c = lax.axis_index("c")
    s = lax.axis_index("s")
    iot = _iota()
    zf = jnp.zeros((L,), jnp.float32)
    negf = jnp.full((L,), NEG, jnp.float32)
    is0 = (c == 0) & (s == 0)

    @pl.when(is0)
    def _start_scores():
        pltpu.async_copy(scores_hbm, scores_v, sem_s)

    @pl.when(c == 0)
    def _decode():
        base = s * CHUNK
        sl_in = pl.ds(base, CHUNK)
        pltpu.sync_copy(ay1_hbm.at[sl_in], iay1)
        pltpu.sync_copy(ax1_hbm.at[sl_in], iax1)
        pltpu.sync_copy(ay2_hbm.at[sl_in], iay2)
        pltpu.sync_copy(ax2_hbm.at[sl_in], iax2)
        pltpu.sync_copy(dy_hbm.at[sl_in], idy)
        pltpu.sync_copy(dx_hbm.at[sl_in], idx_)
        pltpu.sync_copy(dh_hbm.at[sl_in], idh)
        pltpu.sync_copy(dw_hbm.at[sl_in], idw)
        pltpu.sync_copy(scores_hbm.at[sl_in], scl)
        pltpu.sync_copy(hw_hbm, hw_v)
        hh = hw_v[pl.ds(0, L)]
        ww = hw_v[pl.ds(L, L)]

        def dloop(j, _):
            sl = pl.ds(j * L, L)
            ay1 = iay1[sl]
            ax1 = iax1[sl]
            ay2 = iay2[sl]
            ax2 = iax2[sl]
            dy = idy[sl]
            dx = idx_[sl]
            dh = idh[sl]
            dw = idw[sl]
            ah = ay2 - ay1
            aw = ax2 - ax1
            acy = ay1 + 0.5 * ah
            acx = ax1 + 0.5 * aw
            pcy = dy * ah + acy
            pcx = dx * aw + acx
            ph = jnp.exp(dh) * ah
            pw = jnp.exp(dw) * aw
            z = jnp.float32(0.0)
            y1l[sl] = jnp.minimum(jnp.maximum(pcy - 0.5 * ph, z), hh)
            x1l[sl] = jnp.minimum(jnp.maximum(pcx - 0.5 * pw, z), ww)
            y2l[sl] = jnp.minimum(jnp.maximum(pcy + 0.5 * ph, z), hh)
            x2l[sl] = jnp.minimum(jnp.maximum(pcx + 0.5 * pw, z), ww)
            return 0

        lax.fori_loop(0, CHUNK // L, dloop, 0)

        def bloop(t, acc):
            def inner(j, mv):
                return jnp.maximum(mv, scl[pl.ds(t * BS + j * L, L)])

            mv = lax.fori_loop(0, BV, inner, negf)
            return jnp.where(iot == t, jnp.max(mv), acc)

        bml[pl.ds(0, L)] = lax.fori_loop(0, NBT, bloop, negf)

        dst = pl.ds(base, CHUNK)
        pltpu.sync_copy(y1l, spm_y1.at[dst])
        pltpu.sync_copy(x1l, spm_x1.at[dst])
        pltpu.sync_copy(y2l, spm_y2.at[dst])
        pltpu.sync_copy(x2l, spm_x2.at[dst])
        pltpu.sync_copy(bml, spm_bm.at[pl.ds(s * L, L)])

    plsc.subcore_barrier()

    @pl.when(is0)
    def _nms():
        cp1 = pltpu.async_copy(spm_y1, by1, sem_1)
        cp2 = pltpu.async_copy(spm_x1, bx1, sem_2)
        cp3 = pltpu.async_copy(spm_y2, by2, sem_3)
        cp4 = pltpu.async_copy(spm_x2, bx2, sem_4)
        cp5 = pltpu.async_copy(spm_bm, bm_v, sem_5)

        def zloop(k2, _):
            sl = pl.ds(k2 * L, L)
            acc_y1[sl] = zf
            acc_x1[sl] = zf
            acc_y2[sl] = zf
            acc_x2[sl] = zf
            acc_ar[sl] = zf
            return 0

        lax.fori_loop(0, KPAD // L, zloop, 0)

        def z2loop(k2, _):
            outf[pl.ds(k2 * L, L)] = zf
            return 0

        lax.fori_loop(0, (KPAD * 4) // L, z2loop, 0)

        cp5.wait()

        def gloop(g, acc):
            return jnp.where(iot == g, jnp.max(bm_v[pl.ds(g * L, L)]), acc)

        bm2_v[pl.ds(0, L)] = lax.fori_loop(0, NG, gloop, negf)

        cp1.wait()
        cp2.wait()
        cp3.wait()
        cp4.wait()
        pltpu.make_async_copy(scores_hbm, scores_v, sem_s).wait()

        BIGI = jnp.int32(2 ** 30)

        def cond(carry):
            cnt, alive = carry
            return (cnt < K) & (alive > 0)

        iotf = iot.astype(jnp.float32)
        stripf = iotf * BV
        BIGF = jnp.float32(1.0e9)

        def body(carry):
            cnt, _ = carry

            g2 = bm2_v[pl.ds(0, L)]
            mv = jnp.full((L,), jnp.max(g2))
            gv = plsc.all_reduce_ffs(g2 == mv)
            alivev = mv > VTH
            chunk = plsc.load_gather(bm_v, [gv * L + iot])
            lane1 = plsc.all_reduce_ffs(chunk == mv)
            bv = gv * L + lane1

            bbase = bv * BS + iot * BV
            rmv = negf
            smv = negf
            rivf = zf
            for j in range(BV):
                v = plsc.load_gather(scores_v, [bbase + j])
                upd = v > rmv
                smv = jnp.maximum(smv, jnp.where(upd, rmv, v))
                rivf = jnp.where(upd, stripf + j, rivf)
                rmv = jnp.where(upd, v, rmv)
            mask2 = rmv == mv
            ibv = jnp.full((L,), jnp.min(jnp.where(mask2, rivf, BIGF))).astype(jnp.int32)
            rvv = plsc.all_reduce_ffs(mask2)
            gidxv = bv * BS + ibv

            plsc.store_scatter(scores_v, [gidxv], negf, mask=iot == 0)
            nbmv = jnp.full((L,), jnp.max(jnp.where(iot == rvv, smv, rmv)))
            nchunk = jnp.where(iot == lane1, nbmv, chunk)
            plsc.store_scatter(bm_v, [bv], nbmv, mask=iot == 0)
            plsc.store_scatter(bm2_v, [gv], jnp.full((L,), jnp.max(nchunk)),
                               mask=iot == 0)

            cy1 = plsc.load_gather(by1, [gidxv])
            cx1 = plsc.load_gather(bx1, [gidxv])
            cy2 = plsc.load_gather(by2, [gidxv])
            cx2 = plsc.load_gather(bx2, [gidxv])
            car = jnp.maximum(cy2 - cy1, 0.0) * jnp.maximum(cx2 - cx1, 0.0)

            def one(ofs, mx):
                sl = pl.ds(ofs, L)
                iy1 = jnp.maximum(acc_y1[sl], cy1)
                ix1 = jnp.maximum(acc_x1[sl], cx1)
                iy2 = jnp.minimum(acc_y2[sl], cy2)
                ix2 = jnp.minimum(acc_x2[sl], cx2)
                inter = jnp.maximum(iy2 - iy1, 0.0) * jnp.maximum(ix2 - ix1, 0.0)
                return jnp.maximum(mx, inter / (acc_ar[sl] + car - inter + EPS))

            def chk(k4, accs):
                a0, a1, a2, a3 = accs
                base = k4 * (4 * L)
                return (one(base, a0), one(base + L, a1),
                        one(base + 2 * L, a2), one(base + 3 * L, a3))

            n4 = (cnt + (4 * L - 1)) // (4 * L)
            a0, a1, a2, a3 = lax.fori_loop(0, n4, chk, (zf, zf, zf, zf))
            mxv = jnp.maximum(jnp.maximum(a0, a1), jnp.maximum(a2, a3))
            acceptv = (jnp.full((L,), jnp.max(mxv)) <= THR) & alivev

            am = acceptv & (iot == 0)
            cv = jnp.full((L,), cnt, jnp.int32)
            plsc.store_scatter(acc_y1, [cv], cy1, mask=am)
            plsc.store_scatter(acc_x1, [cv], cx1, mask=am)
            plsc.store_scatter(acc_y2, [cv], cy2, mask=am)
            plsc.store_scatter(acc_x2, [cv], cx2, mask=am)
            plsc.store_scatter(acc_ar, [cv], car, mask=am)
            row = jnp.where(iot == 0, cy1,
                            jnp.where(iot == 1, cx1,
                                      jnp.where(iot == 2, cy2, cx2)))
            plsc.store_scatter(outf, [4 * cv + iot], row, mask=acceptv & (iot < 4))

            flags = jnp.where(acceptv, 1.0, 0.0) + jnp.where(alivev, 2.0, 0.0)
            fl = jnp.max(flags).astype(jnp.int32)
            return (cnt + (fl & 1), fl // 2)

        lax.while_loop(cond, body, (jnp.int32(0), jnp.int32(1)))
        pltpu.sync_copy(outf.at[pl.ds(0, 4 * K)], out_hbm)


_mesh = plsc.VectorSubcoreMesh(core_axis_name="c", subcore_axis_name="s")

_nms_call = pl.kernel(
    _nms_body,
    out_type=jax.ShapeDtypeStruct((4 * K,), jnp.float32),
    mesh=_mesh,
    compiler_params=pltpu.CompilerParams(needs_layout_passes=False),
    scratch_types=(
        [pltpu.VMEM((CHUNK,), jnp.float32)] * 8 +
        [pltpu.VMEM((CHUNK,), jnp.float32)] * 4 +
        [pltpu.VMEM((CHUNK,), jnp.float32)] +
        [pltpu.VMEM((L,), jnp.float32)] +
        [pltpu.VMEM_SHARED((NPAD,), jnp.float32)] * 4 +
        [pltpu.VMEM_SHARED((NB,), jnp.float32)] +
        [pltpu.VMEM((NPAD,), jnp.float32)] * 5 +
        [pltpu.VMEM((NB,), jnp.float32)] +
        [pltpu.VMEM((L,), jnp.float32)] +
        [pltpu.VMEM((KPAD,), jnp.float32)] * 5 +
        [pltpu.VMEM((KPAD * 4,), jnp.float32)] +
        [pltpu.VMEM((2 * L,), jnp.float32)] +
        [pltpu.SemaphoreType.DMA] * 6
    ),
)


@jax.jit
def kernel(rpn_scores, rpn_coordinates, anchors, image_shape):
    img_h = image_shape[0].astype(jnp.float32)
    img_w = image_shape[1].astype(jnp.float32)
    hw = jnp.concatenate([jnp.full((L,), img_h), jnp.full((L,), img_w)])
    padf = jnp.zeros((NPAD - N,), jnp.float32)
    scores_p = jnp.concatenate(
        [rpn_scores.astype(jnp.float32), jnp.full((NPAD - N,), NEG, jnp.float32)])
    a = anchors.astype(jnp.float32)
    d = rpn_coordinates.astype(jnp.float32)
    cols = [jnp.concatenate([a[:, i], padf]) for i in range(4)] + \
           [jnp.concatenate([d[:, i], padf]) for i in range(4)]
    out = _nms_call(scores_p, *cols, hw)
    return lax.stop_gradient(out.reshape(K, 4))

# --- scband reference (transcript-rebuilt; emitter-appended) ---
"""Pipeline reference for scband-rpn-proposals-creator-26302379720848 (READ-ONLY COPY).

The authoritative reference and input builder live on the scoring server;
editing this copy changes nothing except your own understanding.
"""

import jax, jax.numpy as jnp
import numpy as np

N = 20000
NMS_THRESHOLD = 0.7
NUM_POST_NMS = 300  # num_post_nms_test, training=None -> test path
IMG_H, IMG_W = 800, 1333
NEG_FILL = -1.0e31
VALID_THRESH = -1.0e30


def setup_inputs(seed: int = 0) -> dict:
    key = jax.random.key(seed)
    k1, k2, k3, k4, k5, k6 = jax.random.split(key, 6)
    rpn_scores = jax.random.uniform(k1, (N,), dtype=jnp.float32)
    # small deltas (dy, dx, dh, dw), as produced by an RPN head
    rpn_coordinates = jax.random.normal(k2, (N, 4), dtype=jnp.float32) * 0.1
    # anchors in (y1, x1, y2, x2) convention, roughly inside the image
    cy = jax.random.uniform(k3, (N,), dtype=jnp.float32) * IMG_H
    cx = jax.random.uniform(k4, (N,), dtype=jnp.float32) * IMG_W
    h = 16.0 + jax.random.uniform(k5, (N,), dtype=jnp.float32) * 240.0
    w = 16.0 + jax.random.uniform(k6, (N,), dtype=jnp.float32) * 240.0
    anchors = jnp.stack([cy - 0.5 * h, cx - 0.5 * w, cy + 0.5 * h, cx + 0.5 * w], axis=1)
    image_shape = jnp.array([IMG_H, IMG_W], dtype=jnp.int32)
    return {
        "rpn_scores": rpn_scores,
        "rpn_coordinates": rpn_coordinates,
        "anchors": anchors,
        "image_shape": image_shape,
    }


def decode_bboxes(anchors, deltas):
    ay1, ax1, ay2, ax2 = anchors[:, 0], anchors[:, 1], anchors[:, 2], anchors[:, 3]
    ah = ay2 - ay1
    aw = ax2 - ax1
    acy = ay1 + 0.5 * ah
    acx = ax1 + 0.5 * aw
    dy, dx, dh, dw = deltas[:, 0], deltas[:, 1], deltas[:, 2], deltas[:, 3]
    pcy = dy * ah + acy
    pcx = dx * aw + acx
    ph = jnp.exp(dh) * ah
    pw = jnp.exp(dw) * aw
    return jnp.stack([pcy - 0.5 * ph, pcx - 0.5 * pw, pcy + 0.5 * ph, pcx + 0.5 * pw], axis=1)


def clip_bboxes(bboxes, img_h, img_w):
    y1 = jnp.clip(bboxes[:, 0], 0.0, img_h)
    x1 = jnp.clip(bboxes[:, 1], 0.0, img_w)
    y2 = jnp.clip(bboxes[:, 2], 0.0, img_h)
    x2 = jnp.clip(bboxes[:, 3], 0.0, img_w)
    return jnp.stack([y1, x1, y2, x2], axis=1)


def nms(boxes, scores, max_output_size, iou_threshold):
    y1, x1, y2, x2 = boxes[:, 0], boxes[:, 1], boxes[:, 2], boxes[:, 3]
    areas = jnp.maximum(y2 - y1, 0.0) * jnp.maximum(x2 - x1, 0.0)

    def step(scores_w, _):
        idx = jnp.argmax(scores_w)
        best = scores_w[idx]
        valid = best > VALID_THRESH
        by1, bx1, by2, bx2 = boxes[idx, 0], boxes[idx, 1], boxes[idx, 2], boxes[idx, 3]
        barea = areas[idx]
        iy1 = jnp.maximum(by1, y1)
        ix1 = jnp.maximum(bx1, x1)
        iy2 = jnp.minimum(by2, y2)
        ix2 = jnp.minimum(bx2, x2)
        inter = jnp.maximum(iy2 - iy1, 0.0) * jnp.maximum(ix2 - ix1, 0.0)
        iou = inter / (barea + areas - inter + 1e-9)
        suppress = iou > iou_threshold
        new_scores = jnp.where(suppress, NEG_FILL, scores_w)
        new_scores = new_scores.at[idx].set(NEG_FILL)
        new_scores = jnp.where(valid, new_scores, scores_w)
        out_idx = jnp.where(valid, idx, -1).astype(jnp.int32)
        return new_scores, out_idx

    _, selected = jax.lax.scan(step, scores, None, length=max_output_size)
    return selected


def reference(rpn_scores, rpn_coordinates, anchors, image_shape):
    img_h = image_shape[0].astype(jnp.float32)
    img_w = image_shape[1].astype(jnp.float32)
    decoded = decode_bboxes(anchors, rpn_coordinates)
    decoded = clip_bboxes(decoded, img_h, img_w)
    selected_indices = nms(decoded.astype(jnp.float32), rpn_scores, NUM_POST_NMS, NMS_THRESHOLD)
    valid = (selected_indices >= 0).astype(decoded.dtype)
    safe_idx = jnp.clip(selected_indices, 0, decoded.shape[0] - 1)
    selected_bboxes = jnp.take(decoded, safe_idx, axis=0) * valid[:, None]
    return jax.lax.stop_gradient(selected_bboxes)

if __name__ == "__main__":
    import jax
    _d = setup_inputs()
    print(jax.jit(kernel)(*tuple(_d.values())))

</pallas_src>

<mosaic_0001>
#map = affine_map<(d0, d1) -> (0)>
module attributes {stable_mosaic.version = 14 : i64} {
  func.func @_nms_body(%arg0: i32, %arg1: i32, %arg2: memref<20480xf32, #tpu.memory_space<hbm>>, %arg3: memref<20480xf32, #tpu.memory_space<hbm>>, %arg4: memref<20480xf32, #tpu.memory_space<hbm>>, %arg5: memref<20480xf32, #tpu.memory_space<hbm>>, %arg6: memref<20480xf32, #tpu.memory_space<hbm>>, %arg7: memref<20480xf32, #tpu.memory_space<hbm>>, %arg8: memref<20480xf32, #tpu.memory_space<hbm>>, %arg9: memref<20480xf32, #tpu.memory_space<hbm>>, %arg10: memref<20480xf32, #tpu.memory_space<hbm>>, %arg11: memref<32xf32, #tpu.memory_space<hbm>>, %arg12: memref<1200xf32, #tpu.memory_space<hbm>>, %arg13: memref<1280xf32, #tpu.memory_space<vmem>>, %arg14: memref<1280xf32, #tpu.memory_space<vmem>>, %arg15: memref<1280xf32, #tpu.memory_space<vmem>>, %arg16: memref<1280xf32, #tpu.memory_space<vmem>>, %arg17: memref<1280xf32, #tpu.memory_space<vmem>>, %arg18: memref<1280xf32, #tpu.memory_space<vmem>>, %arg19: memref<1280xf32, #tpu.memory_space<vmem>>, %arg20: memref<1280xf32, #tpu.memory_space<vmem>>, %arg21: memref<1280xf32, #tpu.memory_space<vmem>>, %arg22: memref<1280xf32, #tpu.memory_space<vmem>>, %arg23: memref<1280xf32, #tpu.memory_space<vmem>>, %arg24: memref<1280xf32, #tpu.memory_space<vmem>>, %arg25: memref<1280xf32, #tpu.memory_space<vmem>>, %arg26: memref<16xf32, #tpu.memory_space<vmem>>, %arg27: memref<20480xf32, #tpu.memory_space<vmem_shared>>, %arg28: memref<20480xf32, #tpu.memory_space<vmem_shared>>, %arg29: memref<20480xf32, #tpu.memory_space<vmem_shared>>, %arg30: memref<20480xf32, #tpu.memory_space<vmem_shared>>, %arg31: memref<256xf32, #tpu.memory_space<vmem_shared>>, %arg32: memref<20480xf32, #tpu.memory_space<vmem>>, %arg33: memref<20480xf32, #tpu.memory_space<vmem>>, %arg34: memref<20480xf32, #tpu.memory_space<vmem>>, %arg35: memref<20480xf32, #tpu.memory_space<vmem>>, %arg36: memref<20480xf32, #tpu.memory_space<vmem>>, %arg37: memref<256xf32, #tpu.memory_space<vmem>>, %arg38: memref<16xf32, #tpu.memory_space<vmem>>, %arg39: memref<320xf32, #tpu.memory_space<vmem>>, %arg40: memref<320xf32, #tpu.memory_space<vmem>>, %arg41: memref<320xf32, #tpu.memory_space<vmem>>, %arg42: memref<320xf32, #tpu.memory_space<vmem>>, %arg43: memref<320xf32, #tpu.memory_space<vmem>>, %arg44: memref<1280xf32, #tpu.memory_space<vmem>>, %arg45: memref<32xf32, #tpu.memory_space<vmem>>, %arg46: memref<!tpu.dma_semaphore, #tpu.memory_space<semaphore_mem>>, %arg47: memref<!tpu.dma_semaphore, #tpu.memory_space<semaphore_mem>>, %arg48: memref<!tpu.dma_semaphore, #tpu.memory_space<semaphore_mem>>, %arg49: memref<!tpu.dma_semaphore, #tpu.memory_space<semaphore_mem>>, %arg50: memref<!tpu.dma_semaphore, #tpu.memory_space<semaphore_mem>>, %arg51: memref<!tpu.dma_semaphore, #tpu.memory_space<semaphore_mem>>) attributes {dimension_semantics = [#tpu.dimension_semantics<core_parallel>, #tpu.dimension_semantics<subcore_parallel>], iteration_bounds = array<i64: 2, 16>, scalar_prefetch = 0 : i64, scratch_operands = 39 : i64, tpu.core_type = #tpu.core_type<sc_vector_subcore>, window_params = [{transform_indices = #map}, {transform_indices = #map}, {transform_indices = #map}, {transform_indices = #map}, {transform_indices = #map}, {transform_indices = #map}, {transform_indices = #map}, {transform_indices = #map}, {transform_indices = #map}, {transform_indices = #map}, {transform_indices = #map}]} {
    %iota3A = tpu.iota {dimensions = array<i32: 0>} : vector<16xi32>
    %broadcast_in_dim3A = arith.constant 0.000000e+00 : f32
    %broadcast_in_dim3A_0 = vector.broadcast %broadcast_in_dim3A : f32 to vector<16xf32>
    %broadcast_in_dim3A_1 = arith.constant -1.000000e+31 : f32
    %broadcast_in_dim3A_2 = vector.broadcast %broadcast_in_dim3A_1 : f32 to vector<16xf32>
    %eq3A = arith.constant 0 : i32
    %eq3A_3 = arith.cmpi eq, %arg0, %eq3A : i32
    %eq3A_4 = arith.constant 0 : i32
    %eq3A_5 = arith.cmpi eq, %arg1, %eq3A_4 : i32
    %and3A = arith.andi %eq3A_3, %eq3A_5 : i1
    %convert_element_type3A = arith.extui %and3A : i1 to i32
    %cond3A = arith.constant 0 : i32
    %cond3A_6 = arith.cmpi ne, %convert_element_type3A, %cond3A : i32
    scf.if %cond3A_6 {
      tpu.enqueue_dma source(%arg2 : memref<20480xf32, #tpu.memory_space<hbm>>) target(%arg32 : memref<20480xf32, #tpu.memory_space<vmem>>) target_semaphore(%arg46 : memref<!tpu.dma_semaphore, #tpu.memory_space<semaphore_mem>>)
    } else {
    }
    %eq3A_7 = arith.constant 0 : i32
    %eq3A_8 = arith.cmpi eq, %arg0, %eq3A_7 : i32
    %convert_element_type3A_9 = arith.extui %eq3A_8 : i1 to i32
    %cond3A_10 = arith.constant 0 : i32
    %cond3A_11 = arith.cmpi ne, %convert_element_type3A_9, %cond3A_10 : i32
    scf.if %cond3A_11 {
      %mul3A = arith.constant 1280 : i32
      %mul3A_15 = arith.muli %arg1, %mul3A : i32
      "tpu.region"() ({
        %run_scoped3A = tpu.sem_alloc : memref<!tpu.dma_semaphore, #tpu.memory_space<semaphore_mem>>
        %dma_start3A = tpu.memref_slice %arg3[%mul3A_15] : memref<20480xf32, #tpu.memory_space<hbm>> -> memref<1280xf32, #tpu.memory_space<hbm>>
        %dma_start3A_34 = tpu.memref_slice %arg3[%mul3A_15] : memref<20480xf32, #tpu.memory_space<hbm>> -> memref<1280xf32, #tpu.memory_space<hbm>>
        tpu.enqueue_dma source(%dma_start3A_34 : memref<1280xf32, #tpu.memory_space<hbm>>) target(%arg13 : memref<1280xf32, #tpu.memory_space<vmem>>) target_semaphore(%run_scoped3A : memref<!tpu.dma_semaphore, #tpu.memory_space<semaphore_mem>>)
        %dma_wait3A = tpu.memref_slice %arg3[%mul3A_15] : memref<20480xf32, #tpu.memory_space<hbm>> -> memref<1280xf32, #tpu.memory_space<hbm>>
        %dma_wait3A_35 = tpu.memref_slice %arg3[%mul3A_15] : memref<20480xf32, #tpu.memory_space<hbm>> -> memref<1280xf32, #tpu.memory_space<hbm>>
        tpu.wait_dma2 semaphore(%run_scoped3A : memref<!tpu.dma_semaphore, #tpu.memory_space<semaphore_mem>>) src(%dma_wait3A_35 : memref<1280xf32, #tpu.memory_space<hbm>>) dst(%arg13 : memref<1280xf32, #tpu.memory_space<vmem>>)
        tpu.yield
      }) : () -> ()
      "tpu.region"() ({
        %run_scoped3A = tpu.sem_alloc : memref<!tpu.dma_semaphore, #tpu.memory_space<semaphore_mem>>
        %dma_start3A = tpu.memref_slice %arg4[%mul3A_15] : memref<20480xf32, #tpu.memory_space<hbm>> -> memref<1280xf32, #tpu.memory_space<hbm>>
        %dma_start3A_34 = tpu.memref_slice %arg4[%mul3A_15] : memref<20480xf32, #tpu.memory_space<hbm>> -> memref<1280xf32, #tpu.memory_space<hbm>>
        tpu.enqueue_dma source(%dma_start3A_34 : memref<1280xf32, #tpu.memory_space<hbm>>) target(%arg14 : memref<1280xf32, #tpu.memory_space<vmem>>) target_semaphore(%run_scoped3A : memref<!tpu.dma_semaphore, #tpu.memory_space<semaphore_mem>>)
        %dma_wait3A = tpu.memref_slice %arg4[%mul3A_15] : memref<20480xf32, #tpu.memory_space<hbm>> -> memref<1280xf32, #tpu.memory_space<hbm>>
        %dma_wait3A_35 = tpu.memref_slice %arg4[%mul3A_15] : memref<20480xf32, #tpu.memory_space<hbm>> -> memref<1280xf32, #tpu.memory_space<hbm>>
        tpu.wait_dma2 semaphore(%run_scoped3A : memref<!tpu.dma_semaphore, #tpu.memory_space<semaphore_mem>>) src(%dma_wait3A_35 : memref<1280xf32, #tpu.memory_space<hbm>>) dst(%arg14 : memref<1280xf32, #tpu.memory_space<vmem>>)
        tpu.yield
      }) : () -> ()
      "tpu.region"() ({
        %run_scoped3A = tpu.sem_alloc : memref<!tpu.dma_semaphore, #tpu.memory_space<semaphore_mem>>
        %dma_start3A = tpu.memref_slice %arg5[%mul3A_15] : memref<20480xf32, #tpu.memory_space<hbm>> -> memref<1280xf32, #tpu.memory_space<hbm>>
        %dma_start3A_34 = tpu.memref_slice %arg5[%mul3A_15] : memref<20480xf32, #tpu.memory_space<hbm>> -> memref<1280xf32, #tpu.memory_space<hbm>>
        tpu.enqueue_dma source(%dma_start3A_34 : memref<1280xf32, #tpu.memory_space<hbm>>) target(%arg15 : memref<1280xf32, #tpu.memory_space<vmem>>) target_semaphore(%run_scoped3A : memref<!tpu.dma_semaphore, #tpu.memory_space<semaphore_mem>>)
        %dma_wait3A = tpu.memref_slice %arg5[%mul3A_15] : memref<20480xf32, #tpu.memory_space<hbm>> -> memref<1280xf32, #tpu.memory_space<hbm>>
        %dma_wait3A_35 = tpu.memref_slice %arg5[%mul3A_15] : memref<20480xf32, #tpu.memory_space<hbm>> -> memref<1280xf32, #tpu.memory_space<hbm>>
        tpu.wait_dma2 semaphore(%run_scoped3A : memref<!tpu.dma_semaphore, #tpu.memory_space<semaphore_mem>>) src(%dma_wait3A_35 : memref<1280xf32, #tpu.memory_space<hbm>>) dst(%arg15 : memref<1280xf32, #tpu.memory_space<vmem>>)
        tpu.yield
      }) : () -> ()
      "tpu.region"() ({
        %run_scoped3A = tpu.sem_alloc : memref<!tpu.dma_semaphore, #tpu.memory_space<semaphore_mem>>
        %dma_start3A = tpu.memref_slice %arg6[%mul3A_15] : memref<20480xf32, #tpu.memory_space<hbm>> -> memref<1280xf32, #tpu.memory_space<hbm>>
        %dma_start3A_34 = tpu.memref_slice %arg6[%mul3A_15] : memref<20480xf32, #tpu.memory_space<hbm>> -> memref<1280xf32, #tpu.memory_space<hbm>>
        tpu.enqueue_dma source(%dma_start3A_34 : memref<1280xf32, #tpu.memory_space<hbm>>) target(%arg16 : memref<1280xf32, #tpu.memory_space<vmem>>) target_semaphore(%run_scoped3A : memref<!tpu.dma_semaphore, #tpu.memory_space<semaphore_mem>>)
        %dma_wait3A = tpu.memref_slice %arg6[%mul3A_15] : memref<20480xf32, #tpu.memory_space<hbm>> -> memref<1280xf32, #tpu.memory_space<hbm>>
        %dma_wait3A_35 = tpu.memref_slice %arg6[%mul3A_15] : memref<20480xf32, #tpu.memory_space<hbm>> -> memref<1280xf32, #tpu.memory_space<hbm>>
        tpu.wait_dma2 semaphore(%run_scoped3A : memref<!tpu.dma_semaphore, #tpu.memory_space<semaphore_mem>>) src(%dma_wait3A_35 : memref<1280xf32, #tpu.memory_space<hbm>>) dst(%arg16 : memref<1280xf32, #tpu.memory_space<vmem>>)
        tpu.yield
      }) : () -> ()
      "tpu.region"() ({
        %run_scoped3A = tpu.sem_alloc : memref<!tpu.dma_semaphore, #tpu.memory_space<semaphore_mem>>
        %dma_start3A = tpu.memref_slice %arg7[%mul3A_15] : memref<20480xf32, #tpu.memory_space<hbm>> -> memref<1280xf32, #tpu.memory_space<hbm>>
        %dma_start3A_34 = tpu.memref_slice %arg7[%mul3A_15] : memref<20480xf32, #tpu.memory_space<hbm>> -> memref<1280xf32, #tpu.memory_space<hbm>>
        tpu.enqueue_dma source(%dma_start3A_34 : memref<1280xf32, #tpu.memory_space<hbm>>) target(%arg17 : memref<1280xf32, #tpu.memory_space<vmem>>) target_semaphore(%run_scoped3A : memref<!tpu.dma_semaphore, #tpu.memory_space<semaphore_mem>>)
        %dma_wait3A = tpu.memref_slice %arg7[%mul3A_15] : memref<20480xf32, #tpu.memory_space<hbm>> -> memref<1280xf32, #tpu.memory_space<hbm>>
        %dma_wait3A_35 = tpu.memref_slice %arg7[%mul3A_15] : memref<20480xf32, #tpu.memory_space<hbm>> -> memref<1280xf32, #tpu.memory_space<hbm>>
        tpu.wait_dma2 semaphore(%run_scoped3A : memref<!tpu.dma_semaphore, #tpu.memory_space<semaphore_mem>>) src(%dma_wait3A_35 : memref<1280xf32, #tpu.memory_space<hbm>>) dst(%arg17 : memref<1280xf32, #tpu.memory_space<vmem>>)
        tpu.yield
      }) : () -> ()
      "tpu.region"() ({
        %run_scoped3A = tpu.sem_alloc : memref<!tpu.dma_semaphore, #tpu.memory_space<semaphore_mem>>
        %dma_start3A = tpu.memref_slice %arg8[%mul3A_15] : memref<20480xf32, #tpu.memory_space<hbm>> -> memref<1280xf32, #tpu.memory_space<hbm>>
        %dma_start3A_34 = tpu.memref_slice %arg8[%mul3A_15] : memref<20480xf32, #tpu.memory_space<hbm>> -> memref<1280xf32, #tpu.memory_space<hbm>>
        tpu.enqueue_dma source(%dma_start3A_34 : memref<1280xf32, #tpu.memory_space<hbm>>) target(%arg18 : memref<1280xf32, #tpu.memory_space<vmem>>) target_semaphore(%run_scoped3A : memref<!tpu.dma_semaphore, #tpu.memory_space<semaphore_mem>>)
        %dma_wait3A = tpu.memref_slice %arg8[%mul3A_15] : memref<20480xf32, #tpu.memory_space<hbm>> -> memref<1280xf32, #tpu.memory_space<hbm>>
        %dma_wait3A_35 = tpu.memref_slice %arg8[%mul3A_15] : memref<20480xf32, #tpu.memory_space<hbm>> -> memref<1280xf32, #tpu.memory_space<hbm>>
        tpu.wait_dma2 semaphore(%run_scoped3A : memref<!tpu.dma_semaphore, #tpu.memory_space<semaphore_mem>>) src(%dma_wait3A_35 : memref<1280xf32, #tpu.memory_space<hbm>>) dst(%arg18 : memref<1280xf32, #tpu.memory_space<vmem>>)
        tpu.yield
      }) : () -> ()
      "tpu.region"() ({
        %run_scoped3A = tpu.sem_alloc : memref<!tpu.dma_semaphore, #tpu.memory_space<semaphore_mem>>
        %dma_start3A = tpu.memref_slice %arg9[%mul3A_15] : memref<20480xf32, #tpu.memory_space<hbm>> -> memref<1280xf32, #tpu.memory_space<hbm>>
        %dma_start3A_34 = tpu.memref_slice %arg9[%mul3A_15] : memref<20480xf32, #tpu.memory_space<hbm>> -> memref<1280xf32, #tpu.memory_space<hbm>>
        tpu.enqueue_dma source(%dma_start3A_34 : memref<1280xf32, #tpu.memory_space<hbm>>) target(%arg19 : memref<1280xf32, #tpu.memory_space<vmem>>) target_semaphore(%run_scoped3A : memref<!tpu.dma_semaphore, #tpu.memory_space<semaphore_mem>>)
        %dma_wait3A = tpu.memref_slice %arg9[%mul3A_15] : memref<20480xf32, #tpu.memory_space<hbm>> -> memref<1280xf32, #tpu.memory_space<hbm>>
        %dma_wait3A_35 = tpu.memref_slice %arg9[%mul3A_15] : memref<20480xf32, #tpu.memory_space<hbm>> -> memref<1280xf32, #tpu.memory_space<hbm>>
        tpu.wait_dma2 semaphore(%run_scoped3A : memref<!tpu.dma_semaphore, #tpu.memory_space<semaphore_mem>>) src(%dma_wait3A_35 : memref<1280xf32, #tpu.memory_space<hbm>>) dst(%arg19 : memref<1280xf32, #tpu.memory_space<vmem>>)
        tpu.yield
      }) : () -> ()
      "tpu.region"() ({
        %run_scoped3A = tpu.sem_alloc : memref<!tpu.dma_semaphore, #tpu.memory_space<semaphore_mem>>
        %dma_start3A = tpu.memref_slice %arg10[%mul3A_15] : memref<20480xf32, #tpu.memory_space<hbm>> -> memref<1280xf32, #tpu.memory_space<hbm>>
        %dma_start3A_34 = tpu.memref_slice %arg10[%mul3A_15] : memref<20480xf32, #tpu.memory_space<hbm>> -> memref<1280xf32, #tpu.memory_space<hbm>>
        tpu.enqueue_dma source(%dma_start3A_34 : memref<1280xf32, #tpu.memory_space<hbm>>) target(%arg20 : memref<1280xf32, #tpu.memory_space<vmem>>) target_semaphore(%run_scoped3A : memref<!tpu.dma_semaphore, #tpu.memory_space<semaphore_mem>>)
        %dma_wait3A = tpu.memref_slice %arg10[%mul3A_15] : memref<20480xf32, #tpu.memory_space<hbm>> -> memref<1280xf32, #tpu.memory_space<hbm>>
        %dma_wait3A_35 = tpu.memref_slice %arg10[%mul3A_15] : memref<20480xf32, #tpu.memory_space<hbm>> -> memref<1280xf32, #tpu.memory_space<hbm>>
        tpu.wait_dma2 semaphore(%run_scoped3A : memref<!tpu.dma_semaphore, #tpu.memory_space<semaphore_mem>>) src(%dma_wait3A_35 : memref<1280xf32, #tpu.memory_space<hbm>>) dst(%arg20 : memref<1280xf32, #tpu.memory_space<vmem>>)
        tpu.yield
      }) : () -> ()
      "tpu.region"() ({
        %run_scoped3A = tpu.sem_alloc : memref<!tpu.dma_semaphore, #tpu.memory_space<semaphore_mem>>
        %dma_start3A = tpu.memref_slice %arg2[%mul3A_15] : memref<20480xf32, #tpu.memory_space<hbm>> -> memref<1280xf32, #tpu.memory_space<hbm>>
        %dma_start3A_34 = tpu.memref_slice %arg2[%mul3A_15] : memref<20480xf32, #tpu.memory_space<hbm>> -> memref<1280xf32, #tpu.memory_space<hbm>>
        tpu.enqueue_dma source(%dma_start3A_34 : memref<1280xf32, #tpu.memory_space<hbm>>) target(%arg25 : memref<1280xf32, #tpu.memory_space<vmem>>) target_semaphore(%run_scoped3A : memref<!tpu.dma_semaphore, #tpu.memory_space<semaphore_mem>>)
        %dma_wait3A = tpu.memref_slice %arg2[%mul3A_15] : memref<20480xf32, #tpu.memory_space<hbm>> -> memref<1280xf32, #tpu.memory_space<hbm>>
        %dma_wait3A_35 = tpu.memref_slice %arg2[%mul3A_15] : memref<20480xf32, #tpu.memory_space<hbm>> -> memref<1280xf32, #tpu.memory_space<hbm>>
        tpu.wait_dma2 semaphore(%run_scoped3A : memref<!tpu.dma_semaphore, #tpu.memory_space<semaphore_mem>>) src(%dma_wait3A_35 : memref<1280xf32, #tpu.memory_space<hbm>>) dst(%arg25 : memref<1280xf32, #tpu.memory_space<vmem>>)
        tpu.yield
      }) : () -> ()
      "tpu.region"() ({
        %run_scoped3A = tpu.sem_alloc : memref<!tpu.dma_semaphore, #tpu.memory_space<semaphore_mem>>
        tpu.enqueue_dma source(%arg11 : memref<32xf32, #tpu.memory_space<hbm>>) target(%arg45 : memref<32xf32, #tpu.memory_space<vmem>>) target_semaphore(%run_scoped3A : memref<!tpu.dma_semaphore, #tpu.memory_space<semaphore_mem>>)
        tpu.wait_dma2 semaphore(%run_scoped3A : memref<!tpu.dma_semaphore, #tpu.memory_space<semaphore_mem>>) src(%arg11 : memref<32xf32, #tpu.memory_space<hbm>>) dst(%arg45 : memref<32xf32, #tpu.memory_space<vmem>>)
        tpu.yield
      }) : () -> ()
      %get3A = arith.constant 0 : index
      %get3A_16 = tpu.vector_load %arg45[%get3A] {strides = array<i32>} : memref<32xf32, #tpu.memory_space<vmem>>, vector<16xf32>,
      %get3A_17 = arith.constant 16 : index
      %get3A_18 = tpu.vector_load %arg45[%get3A_17] {strides = array<i32>} : memref<32xf32, #tpu.memory_space<vmem>>, vector<16xf32>,
      %scan3A = arith.constant 0 : i32
      %scan3A_19 = arith.constant 0 : i32
      %scan3A_20 = arith.constant 80 : i32
      %scan3A_21 = arith.addi %scan3A_19, %scan3A_20 : i32
      %scan3A_22 = arith.constant 1 : i32
      %scan3A_23 = scf.for %scan3A_34 = %scan3A_19 to %scan3A_21 step %scan3A_22 iter_args(%scan3A_35 = %scan3A) -> (i32)  : i32 {
        %mul3A_36 = arith.constant 16 : i32
        %mul3A_37 = arith.muli %scan3A_34, %mul3A_36 : i32
        %get3A_38 = arith.index_cast %mul3A_37 : i32 to index
        %get3A_39 = tpu.vector_load %arg13[%get3A_38] {strides = array<i32>} : memref<1280xf32, #tpu.memory_space<vmem>>, vector<16xf32>,
        %get3A_40 = arith.index_cast %mul3A_37 : i32 to index
        %get3A_41 = tpu.vector_load %arg14[%get3A_40] {strides = array<i32>} : memref<1280xf32, #tpu.memory_space<vmem>>, vector<16xf32>,
        %get3A_42 = arith.index_cast %mul3A_37 : i32 to index
        %get3A_43 = tpu.vector_load %arg15[%get3A_42] {strides = array<i32>} : memref<1280xf32, #tpu.memory_space<vmem>>, vector<16xf32>,
        %get3A_44 = arith.index_cast %mul3A_37 : i32 to index
        %get3A_45 = tpu.vector_load %arg16[%get3A_44] {strides = array<i32>} : memref<1280xf32, #tpu.memory_space<vmem>>, vector<16xf32>,
        %get3A_46 = arith.index_cast %mul3A_37 : i32 to index
        %get3A_47 = tpu.vector_load %arg17[%get3A_46] {strides = array<i32>} : memref<1280xf32, #tpu.memory_space<vmem>>, vector<16xf32>,
        %get3A_48 = arith.index_cast %mul3A_37 : i32 to index
        %get3A_49 = tpu.vector_load %arg18[%get3A_48] {strides = array<i32>} : memref<1280xf32, #tpu.memory_space<vmem>>, vector<16xf32>,
        %get3A_50 = arith.index_cast %mul3A_37 : i32 to index
        %get3A_51 = tpu.vector_load %arg19[%get3A_50] {strides = array<i32>} : memref<1280xf32, #tpu.memory_space<vmem>>, vector<16xf32>,
        %get3A_52 = arith.index_cast %mul3A_37 : i32 to index
        %get3A_53 = tpu.vector_load %arg20[%get3A_52] {strides = array<i32>} : memref<1280xf32, #tpu.memory_space<vmem>>, vector<16xf32>,
        %sub3A = arith.subf %get3A_43, %get3A_39 : vector<16xf32>
        %sub3A_54 = arith.subf %get3A_45, %get3A_41 : vector<16xf32>
        %mul3A_55 = arith.constant 5.000000e-01 : f32
        %mul3A_56 = vector.broadcast %mul3A_55 : f32 to vector<16xf32>
        %mul3A_57 = arith.mulf %mul3A_56, %sub3A : vector<16xf32>
        %add3A = arith.addf %get3A_39, %mul3A_57 : vector<16xf32>
        %mul3A_58 = arith.constant 5.000000e-01 : f32
        %mul3A_59 = vector.broadcast %mul3A_58 : f32 to vector<16xf32>
        %mul3A_60 = arith.mulf %mul3A_59, %sub3A_54 : vector<16xf32>
        %add3A_61 = arith.addf %get3A_41, %mul3A_60 : vector<16xf32>
        %mul3A_62 = arith.mulf %get3A_47, %sub3A : vector<16xf32>
        %add3A_63 = arith.addf %mul3A_62, %add3A : vector<16xf32>
        %mul3A_64 = arith.mulf %get3A_49, %sub3A_54 : vector<16xf32>
        %add3A_65 = arith.addf %mul3A_64, %add3A_61 : vector<16xf32>
        %exp3A = math.exp %get3A_51 : vector<16xf32>
        %mul3A_66 = arith.mulf %exp3A, %sub3A : vector<16xf32>
        %exp3A_67 = math.exp %get3A_53 : vector<16xf32>
        %mul3A_68 = arith.mulf %exp3A_67, %sub3A_54 : vector<16xf32>
        %mul3A_69 = arith.constant 5.000000e-01 : f32
        %mul3A_70 = vector.broadcast %mul3A_69 : f32 to vector<16xf32>
        %mul3A_71 = arith.mulf %mul3A_70, %mul3A_66 : vector<16xf32>
        %sub3A_72 = arith.subf %add3A_63, %mul3A_71 : vector<16xf32>
        %max3A = arith.constant 0.000000e+00 : f32
        %max3A_73 = vector.broadcast %max3A : f32 to vector<16xf32>
        %max3A_74 = arith.maximumf %sub3A_72, %max3A_73 : vector<16xf32>
        %min3A = arith.minimumf %max3A_74, %get3A_16 : vector<16xf32>
        %swap3A_75 = arith.index_cast %mul3A_37 : i32 to index
        %swap3A_76 = tpu.vector_load %arg21[%swap3A_75] {strides = array<i32>} : memref<1280xf32, #tpu.memory_space<vmem>>, vector<16xf32>,
        tpu.vector_store %arg21[%swap3A_75], %min3A {strides = array<i32>} : memref<1280xf32, #tpu.memory_space<vmem>>, vector<16xf32>,
        %mul3A_77 = arith.constant 5.000000e-01 : f32
        %mul3A_78 = vector.broadcast %mul3A_77 : f32 to vector<16xf32>
        %mul3A_79 = arith.mulf %mul3A_78, %mul3A_68 : vector<16xf32>
        %sub3A_80 = arith.subf %add3A_65, %mul3A_79 : vector<16xf32>
        %max3A_81 = arith.constant 0.000000e+00 : f32
        %max3A_82 = vector.broadcast %max3A_81 : f32 to vector<16xf32>
        %max3A_83 = arith.maximumf %sub3A_80, %max3A_82 : vector<16xf32>
        %min3A_84 = arith.minimumf %max3A_83, %get3A_18 : vector<16xf32>
        %swap3A_85 = arith.index_cast %mul3A_37 : i32 to index
        %swap3A_86 = tpu.vector_load %arg22[%swap3A_85] {strides = array<i32>} : memref<1280xf32, #tpu.memory_space<vmem>>, vector<16xf32>,
        tpu.vector_store %arg22[%swap3A_85], %min3A_84 {strides = array<i32>} : memref<1280xf32, #tpu.memory_space<vmem>>, vector<16xf32>,
        %mul3A_87 = arith.constant 5.000000e-01 : f32
        %mul3A_88 = vector.broadcast %mul3A_87 : f32 to vector<16xf32>
        %mul3A_89 = arith.mulf %mul3A_88, %mul3A_66 : vector<16xf32>
        %add3A_90 = arith.addf %add3A_63, %mul3A_89 : vector<16xf32>
        %max3A_91 = arith.constant 0.000000e+00 : f32
        %max3A_92 = vector.broadcast %max3A_91 : f32 to vector<16xf32>
        %max3A_93 = arith.maximumf %add3A_90, %max3A_92 : vector<16xf32>
        %min3A_94 = arith.minimumf %max3A_93, %get3A_16 : vector<16xf32>
        %swap3A_95 = arith.index_cast %mul3A_37 : i32 to index
        %swap3A_96 = tpu.vector_load %arg23[%swap3A_95] {strides = array<i32>} : memref<1280xf32, #tpu.memory_space<vmem>>, vector<16xf32>,
        tpu.vector_store %arg23[%swap3A_95], %min3A_94 {strides = array<i32>} : memref<1280xf32, #tpu.memory_space<vmem>>, vector<16xf32>,
        %mul3A_97 = arith.constant 5.000000e-01 : f32
        %mul3A_98 = vector.broadcast %mul3A_97 : f32 to vector<16xf32>
        %mul3A_99 = arith.mulf %mul3A_98, %mul3A_68 : vector<16xf32>
        %add3A_100 = arith.addf %add3A_65, %mul3A_99 : vector<16xf32>
        %max3A_101 = arith.constant 0.000000e+00 : f32
        %max3A_102 = vector.broadcast %max3A_101 : f32 to vector<16xf32>
        %max3A_103 = arith.maximumf %add3A_100, %max3A_102 : vector<16xf32>
        %min3A_104 = arith.minimumf %max3A_103, %get3A_18 : vector<16xf32>
        %swap3A_105 = arith.index_cast %mul3A_37 : i32 to index
        %swap3A_106 = tpu.vector_load %arg24[%swap3A_105] {strides = array<i32>} : memref<1280xf32, #tpu.memory_space<vmem>>, vector<16xf32>,
        tpu.vector_store %arg24[%swap3A_105], %min3A_104 {strides = array<i32>} : memref<1280xf32, #tpu.memory_space<vmem>>, vector<16xf32>,
        %scan3A_107 = arith.constant 0 : i32
        scf.yield %scan3A_107 : i32
      }
      %scan3A_24 = arith.constant 80 : i32
      %scan3A_25 = arith.constant 0 : i32
      %scan3A_26 = arith.constant 16 : i32
      %scan3A_27 = arith.addi %scan3A_25, %scan3A_26 : i32
      %scan3A_28 = arith.constant 1 : i32
      %scan3A_29 = scf.for %scan3A_34 = %scan3A_25 to %scan3A_27 step %scan3A_28 iter_args(%scan3A_35 = %broadcast_in_dim3A_2) -> (vector<16xf32>)  : i32 {
        %scan3A_36 = arith.constant 0 : i32
        %scan3A_37 = arith.constant 5 : i32
        %scan3A_38 = arith.addi %scan3A_36, %scan3A_37 : i32
        %scan3A_39 = arith.constant 1 : i32
        %scan3A_40 = scf.for %scan3A_48 = %scan3A_36 to %scan3A_38 step %scan3A_39 iter_args(%scan3A_49 = %broadcast_in_dim3A_2) -> (vector<16xf32>)  : i32 {
          %mul3A_50 = arith.constant 80 : i32
          %mul3A_51 = arith.muli %scan3A_34, %mul3A_50 : i32
          %mul3A_52 = arith.constant 16 : i32
          %mul3A_53 = arith.muli %scan3A_48, %mul3A_52 : i32
          %add3A = arith.addi %mul3A_51, %mul3A_53 : i32
          %get3A_54 = arith.index_cast %add3A : i32 to index
          %get3A_55 = tpu.vector_load %arg25[%get3A_54] {strides = array<i32>} : memref<1280xf32, #tpu.memory_space<vmem>>, vector<16xf32>,
          %max3A = arith.maximumf %scan3A_49, %get3A_55 : vector<16xf32>
          scf.yield %max3A : vector<16xf32>
        }
        %scan3A_41 = arith.constant 5 : i32
        %eq3A_42 = vector.broadcast %scan3A_34 : i32 to vector<16xi32>
        %eq3A_43 = arith.cmpi eq, %iota3A, %eq3A_42 : vector<16xi32>
        %reduce_max3A = arith.constant true
        %reduce_max3A_44 = vector.broadcast %reduce_max3A : i1 to vector<16xi1>
        %reduce_max3A_45 = tpu.scan <max>, %scan3A_40 masked %reduce_max3A_44 : vector<16xf32>, vector<16xi1> -> vector<16xf32>
        %reduce_max3A_46 = vector.extract %reduce_max3A_45[15] : f32 from vector<16xf32>
        %broadcast_in_dim3A_47 = vector.broadcast %reduce_max3A_46 : f32 to vector<16xf32>
        %select_n3A = arith.select %eq3A_43, %broadcast_in_dim3A_47, %scan3A_35 : vector<16xi1>, vector<16xf32>
        scf.yield %select_n3A : vector<16xf32>
      }
      %scan3A_30 = arith.constant 16 : i32
      %swap3A = arith.constant 0 : index
      %swap3A_31 = tpu.vector_load %arg26[%swap3A] {strides = array<i32>} : memref<16xf32, #tpu.memory_space<vmem>>, vector<16xf32>,
      tpu.vector_store %arg26[%swap3A], %scan3A_29 {strides = array<i32>} : memref<16xf32, #tpu.memory_space<vmem>>, vector<16xf32>,
      "tpu.region"() ({
        %run_scoped3A = tpu.sem_alloc : memref<!tpu.dma_semaphore, #tpu.memory_space<semaphore_mem>>
        %dma_start3A = tpu.memref_slice %arg27[%mul3A_15] : memref<20480xf32, #tpu.memory_space<vmem_shared>> -> memref<1280xf32, #tpu.memory_space<vmem_shared>>
        %dma_start3A_34 = tpu.memref_slice %arg27[%mul3A_15] : memref<20480xf32, #tpu.memory_space<vmem_shared>> -> memref<1280xf32, #tpu.memory_space<vmem_shared>>
        tpu.enqueue_dma source(%arg21 : memref<1280xf32, #tpu.memory_space<vmem>>) target(%dma_start3A_34 : memref<1280xf32, #tpu.memory_space<vmem_shared>>) target_semaphore(%run_scoped3A : memref<!tpu.dma_semaphore, #tpu.memory_space<semaphore_mem>>)
        %dma_wait3A = tpu.memref_slice %arg27[%mul3A_15] : memref<20480xf32, #tpu.memory_space<vmem_shared>> -> memref<1280xf32, #tpu.memory_space<vmem_shared>>
        %dma_wait3A_35 = tpu.memref_slice %arg27[%mul3A_15] : memref<20480xf32, #tpu.memory_space<vmem_shared>> -> memref<1280xf32, #tpu.memory_space<vmem_shared>>
        tpu.wait_dma2 semaphore(%run_scoped3A : memref<!tpu.dma_semaphore, #tpu.memory_space<semaphore_mem>>) src(%arg21 : memref<1280xf32, #tpu.memory_space<vmem>>) dst(%dma_wait3A_35 : memref<1280xf32, #tpu.memory_space<vmem_shared>>)
        tpu.yield
      }) : () -> ()
      "tpu.region"() ({
        %run_scoped3A = tpu.sem_alloc : memref<!tpu.dma_semaphore, #tpu.memory_space<semaphore_mem>>
        %dma_start3A = tpu.memref_slice %arg28[%mul3A_15] : memref<20480xf32, #tpu.memory_space<vmem_shared>> -> memref<1280xf32, #tpu.memory_space<vmem_shared>>
        %dma_start3A_34 = tpu.memref_slice %arg28[%mul3A_15] : memref<20480xf32, #tpu.memory_space<vmem_shared>> -> memref<1280xf32, #tpu.memory_space<vmem_shared>>
        tpu.enqueue_dma source(%arg22 : memref<1280xf32, #tpu.memory_space<vmem>>) target(%dma_start3A_34 : memref<1280xf32, #tpu.memory_space<vmem_shared>>) target_semaphore(%run_scoped3A : memref<!tpu.dma_semaphore, #tpu.memory_space<semaphore_mem>>)
        %dma_wait3A = tpu.memref_slice %arg28[%mul3A_15] : memref<20480xf32, #tpu.memory_space<vmem_shared>> -> memref<1280xf32, #tpu.memory_space<vmem_shared>>
        %dma_wait3A_35 = tpu.memref_slice %arg28[%mul3A_15] : memref<20480xf32, #tpu.memory_space<vmem_shared>> -> memref<1280xf32, #tpu.memory_space<vmem_shared>>
        tpu.wait_dma2 semaphore(%run_scoped3A : memref<!tpu.dma_semaphore, #tpu.memory_space<semaphore_mem>>) src(%arg22 : memref<1280xf32, #tpu.memory_space<vmem>>) dst(%dma_wait3A_35 : memref<1280xf32, #tpu.memory_space<vmem_shared>>)
        tpu.yield
      }) : () -> ()
      "tpu.region"() ({
        %run_scoped3A = tpu.sem_alloc : memref<!tpu.dma_semaphore, #tpu.memory_space<semaphore_mem>>
        %dma_start3A = tpu.memref_slice %arg29[%mul3A_15] : memref<20480xf32, #tpu.memory_space<vmem_shared>> -> memref<1280xf32, #tpu.memory_space<vmem_shared>>
        %dma_start3A_34 = tpu.memref_slice %arg29[%mul3A_15] : memref<20480xf32, #tpu.memory_space<vmem_shared>> -> memref<1280xf32, #tpu.memory_space<vmem_shared>>
        tpu.enqueue_dma source(%arg23 : memref<1280xf32, #tpu.memory_space<vmem>>) target(%dma_start3A_34 : memref<1280xf32, #tpu.memory_space<vmem_shared>>) target_semaphore(%run_scoped3A : memref<!tpu.dma_semaphore, #tpu.memory_space<semaphore_mem>>)
        %dma_wait3A = tpu.memref_slice %arg29[%mul3A_15] : memref<20480xf32, #tpu.memory_space<vmem_shared>> -> memref<1280xf32, #tpu.memory_space<vmem_shared>>
        %dma_wait3A_35 = tpu.memref_slice %arg29[%mul3A_15] : memref<20480xf32, #tpu.memory_space<vmem_shared>> -> memref<1280xf32, #tpu.memory_space<vmem_shared>>
        tpu.wait_dma2 semaphore(%run_scoped3A : memref<!tpu.dma_semaphore, #tpu.memory_space<semaphore_mem>>) src(%arg23 : memref<1280xf32, #tpu.memory_space<vmem>>) dst(%dma_wait3A_35 : memref<1280xf32, #tpu.memory_space<vmem_shared>>)
        tpu.yield
      }) : () -> ()
      "tpu.region"() ({
        %run_scoped3A = tpu.sem_alloc : memref<!tpu.dma_semaphore, #tpu.memory_space<semaphore_mem>>
        %dma_start3A = tpu.memref_slice %arg30[%mul3A_15] : memref<20480xf32, #tpu.memory_space<vmem_shared>> -> memref<1280xf32, #tpu.memory_space<vmem_shared>>
        %dma_start3A_34 = tpu.memref_slice %arg30[%mul3A_15] : memref<20480xf32, #tpu.memory_space<vmem_shared>> -> memref<1280xf32, #tpu.memory_space<vmem_shared>>
        tpu.enqueue_dma source(%arg24 : memref<1280xf32, #tpu.memory_space<vmem>>) target(%dma_start3A_34 : memref<1280xf32, #tpu.memory_space<vmem_shared>>) target_semaphore(%run_scoped3A : memref<!tpu.dma_semaphore, #tpu.memory_space<semaphore_mem>>)
        %dma_wait3A = tpu.memref_slice %arg30[%mul3A_15] : memref<20480xf32, #tpu.memory_space<vmem_shared>> -> memref<1280xf32, #tpu.memory_space<vmem_shared>>
        %dma_wait3A_35 = tpu.memref_slice %arg30[%mul3A_15] : memref<20480xf32, #tpu.memory_space<vmem_shared>> -> memref<1280xf32, #tpu.memory_space<vmem_shared>>
        tpu.wait_dma2 semaphore(%run_scoped3A : memref<!tpu.dma_semaphore, #tpu.memory_space<semaphore_mem>>) src(%arg24 : memref<1280xf32, #tpu.memory_space<vmem>>) dst(%dma_wait3A_35 : memref<1280xf32, #tpu.memory_space<vmem_shared>>)
        tpu.yield
      }) : () -> ()
      %mul3A_32 = arith.constant 16 : i32
      %mul3A_33 = arith.muli %arg1, %mul3A_32 : i32
      "tpu.region"() ({
        %run_scoped3A = tpu.sem_alloc : memref<!tpu.dma_semaphore, #tpu.memory_space<semaphore_mem>>
        %dma_start3A = tpu.memref_slice %arg31[%mul3A_33] : memref<256xf32, #tpu.memory_space<vmem_shared>> -> memref<16xf32, #tpu.memory_space<vmem_shared>>
        %dma_start3A_34 = tpu.memref_slice %arg31[%mul3A_33] : memref<256xf32, #tpu.memory_space<vmem_shared>> -> memref<16xf32, #tpu.memory_space<vmem_shared>>
        tpu.enqueue_dma source(%arg26 : memref<16xf32, #tpu.memory_space<vmem>>) target(%dma_start3A_34 : memref<16xf32, #tpu.memory_space<vmem_shared>>) target_semaphore(%run_scoped3A : memref<!tpu.dma_semaphore, #tpu.memory_space<semaphore_mem>>)
        %dma_wait3A = tpu.memref_slice %arg31[%mul3A_33] : memref<256xf32, #tpu.memory_space<vmem_shared>> -> memref<16xf32, #tpu.memory_space<vmem_shared>>
        %dma_wait3A_35 = tpu.memref_slice %arg31[%mul3A_33] : memref<256xf32, #tpu.memory_space<vmem_shared>> -> memref<16xf32, #tpu.memory_space<vmem_shared>>
        tpu.wait_dma2 semaphore(%run_scoped3A : memref<!tpu.dma_semaphore, #tpu.memory_space<semaphore_mem>>) src(%arg26 : memref<16xf32, #tpu.memory_space<vmem>>) dst(%dma_wait3A_35 : memref<16xf32, #tpu.memory_space<vmem_shared>>)
        tpu.yield
      }) : () -> ()
    } else {
    }
    %barrier3A = arith.constant 0 : index
    tpu.barrier barrier_id(%barrier3A)
    %convert_element_type3A_12 = arith.extui %and3A : i1 to i32
    %cond3A_13 = arith.constant 0 : i32
    %cond3A_14 = arith.cmpi ne, %convert_element_type3A_12, %cond3A_13 : i32
    scf.if %cond3A_14 {
      tpu.enqueue_dma source(%arg27 : memref<20480xf32, #tpu.memory_space<vmem_shared>>) target(%arg33 : memref<20480xf32, #tpu.memory_space<vmem>>) target_semaphore(%arg47 : memref<!tpu.dma_semaphore, #tpu.memory_space<semaphore_mem>>)
      tpu.enqueue_dma source(%arg28 : memref<20480xf32, #tpu.memory_space<vmem_shared>>) target(%arg34 : memref<20480xf32, #tpu.memory_space<vmem>>) target_semaphore(%arg48 : memref<!tpu.dma_semaphore, #tpu.memory_space<semaphore_mem>>)
      tpu.enqueue_dma source(%arg29 : memref<20480xf32, #tpu.memory_space<vmem_shared>>) target(%arg35 : memref<20480xf32, #tpu.memory_space<vmem>>) target_semaphore(%arg49 : memref<!tpu.dma_semaphore, #tpu.memory_space<semaphore_mem>>)
      tpu.enqueue_dma source(%arg30 : memref<20480xf32, #tpu.memory_space<vmem_shared>>) target(%arg36 : memref<20480xf32, #tpu.memory_space<vmem>>) target_semaphore(%arg50 : memref<!tpu.dma_semaphore, #tpu.memory_space<semaphore_mem>>)
      tpu.enqueue_dma source(%arg31 : memref<256xf32, #tpu.memory_space<vmem_shared>>) target(%arg37 : memref<256xf32, #tpu.memory_space<vmem>>) target_semaphore(%arg51 : memref<!tpu.dma_semaphore, #tpu.memory_space<semaphore_mem>>)
      %scan3A = arith.constant 0 : i32
      %scan3A_15 = arith.constant 0 : i32
      %scan3A_16 = arith.constant 20 : i32
      %scan3A_17 = arith.addi %scan3A_15, %scan3A_16 : i32
      %scan3A_18 = arith.constant 1 : i32
      %scan3A_19 = scf.for %scan3A_41 = %scan3A_15 to %scan3A_17 step %scan3A_18 iter_args(%scan3A_42 = %scan3A) -> (i32)  : i32 {
        %mul3A_43 = arith.constant 16 : i32
        %mul3A_44 = arith.muli %scan3A_41, %mul3A_43 : i32
        %swap3A_45 = arith.index_cast %mul3A_44 : i32 to index
        %swap3A_46 = tpu.vector_load %arg39[%swap3A_45] {strides = array<i32>} : memref<320xf32, #tpu.memory_space<vmem>>, vector<16xf32>,
        tpu.vector_store %arg39[%swap3A_45], %broadcast_in_dim3A_0 {strides = array<i32>} : memref<320xf32, #tpu.memory_space<vmem>>, vector<16xf32>,
        %swap3A_47 = arith.index_cast %mul3A_44 : i32 to index
        %swap3A_48 = tpu.vector_load %arg40[%swap3A_47] {strides = array<i32>} : memref<320xf32, #tpu.memory_space<vmem>>, vector<16xf32>,
        tpu.vector_store %arg40[%swap3A_47], %broadcast_in_dim3A_0 {strides = array<i32>} : memref<320xf32, #tpu.memory_space<vmem>>, vector<16xf32>,
        %swap3A_49 = arith.index_cast %mul3A_44 : i32 to index
        %swap3A_50 = tpu.vector_load %arg41[%swap3A_49] {strides = array<i32>} : memref<320xf32, #tpu.memory_space<vmem>>, vector<16xf32>,
        tpu.vector_store %arg41[%swap3A_49], %broadcast_in_dim3A_0 {strides = array<i32>} : memref<320xf32, #tpu.memory_space<vmem>>, vector<16xf32>,
        %swap3A_51 = arith.index_cast %mul3A_44 : i32 to index
        %swap3A_52 = tpu.vector_load %arg42[%swap3A_51] {strides = array<i32>} : memref<320xf32, #tpu.memory_space<vmem>>, vector<16xf32>,
        tpu.vector_store %arg42[%swap3A_51], %broadcast_in_dim3A_0 {strides = array<i32>} : memref<320xf32, #tpu.memory_space<vmem>>, vector<16xf32>,
        %swap3A_53 = arith.index_cast %mul3A_44 : i32 to index
        %swap3A_54 = tpu.vector_load %arg43[%swap3A_53] {strides = array<i32>} : memref<320xf32, #tpu.memory_space<vmem>>, vector<16xf32>,
        tpu.vector_store %arg43[%swap3A_53], %broadcast_in_dim3A_0 {strides = array<i32>} : memref<320xf32, #tpu.memory_space<vmem>>, vector<16xf32>,
        %scan3A_55 = arith.constant 0 : i32
        scf.yield %scan3A_55 : i32
      }
      %scan3A_20 = arith.constant 20 : i32
      %scan3A_21 = arith.constant 0 : i32
      %scan3A_22 = arith.constant 0 : i32
      %scan3A_23 = arith.constant 80 : i32
      %scan3A_24 = arith.addi %scan3A_22, %scan3A_23 : i32
      %scan3A_25 = arith.constant 1 : i32
      %scan3A_26 = scf.for %scan3A_41 = %scan3A_22 to %scan3A_24 step %scan3A_25 iter_args(%scan3A_42 = %scan3A_21) -> (i32)  : i32 {
        %mul3A_43 = arith.constant 16 : i32
        %mul3A_44 = arith.muli %scan3A_41, %mul3A_43 : i32
        %swap3A_45 = arith.index_cast %mul3A_44 : i32 to index
        %swap3A_46 = tpu.vector_load %arg44[%swap3A_45] {strides = array<i32>} : memref<1280xf32, #tpu.memory_space<vmem>>, vector<16xf32>,
        tpu.vector_store %arg44[%swap3A_45], %broadcast_in_dim3A_0 {strides = array<i32>} : memref<1280xf32, #tpu.memory_space<vmem>>, vector<16xf32>,
        %scan3A_47 = arith.constant 0 : i32
        scf.yield %scan3A_47 : i32
      }
      %scan3A_27 = arith.constant 80 : i32
      tpu.wait_dma2 semaphore(%arg51 : memref<!tpu.dma_semaphore, #tpu.memory_space<semaphore_mem>>) src(%arg31 : memref<256xf32, #tpu.memory_space<vmem_shared>>) dst(%arg37 : memref<256xf32, #tpu.memory_space<vmem>>)
      %scan3A_28 = arith.constant 0 : i32
      %scan3A_29 = arith.constant 16 : i32
      %scan3A_30 = arith.addi %scan3A_28, %scan3A_29 : i32
      %scan3A_31 = arith.constant 1 : i32
      %scan3A_32 = scf.for %scan3A_41 = %scan3A_28 to %scan3A_30 step %scan3A_31 iter_args(%scan3A_42 = %broadcast_in_dim3A_2) -> (vector<16xf32>)  : i32 {
        %eq3A_43 = vector.broadcast %scan3A_41 : i32 to vector<16xi32>
        %eq3A_44 = arith.cmpi eq, %iota3A, %eq3A_43 : vector<16xi32>
        %mul3A_45 = arith.constant 16 : i32
        %mul3A_46 = arith.muli %scan3A_41, %mul3A_45 : i32
        %get3A = arith.index_cast %mul3A_46 : i32 to index
        %get3A_47 = tpu.vector_load %arg37[%get3A] {strides = array<i32>} : memref<256xf32, #tpu.memory_space<vmem>>, vector<16xf32>,
        %reduce_max3A = arith.constant true
        %reduce_max3A_48 = vector.broadcast %reduce_max3A : i1 to vector<16xi1>
        %reduce_max3A_49 = tpu.scan <max>, %get3A_47 masked %reduce_max3A_48 : vector<16xf32>, vector<16xi1> -> vector<16xf32>
        %reduce_max3A_50 = vector.extract %reduce_max3A_49[15] : f32 from vector<16xf32>
        %broadcast_in_dim3A_51 = vector.broadcast %reduce_max3A_50 : f32 to vector<16xf32>
        %select_n3A = arith.select %eq3A_44, %broadcast_in_dim3A_51, %scan3A_42 : vector<16xi1>, vector<16xf32>
        scf.yield %select_n3A : vector<16xf32>
      }
      %scan3A_33 = arith.constant 16 : i32
      %swap3A = arith.constant 0 : index
      %swap3A_34 = tpu.vector_load %arg38[%swap3A] {strides = array<i32>} : memref<16xf32, #tpu.memory_space<vmem>>, vector<16xf32>,
      tpu.vector_store %arg38[%swap3A], %scan3A_32 {strides = array<i32>} : memref<16xf32, #tpu.memory_space<vmem>>, vector<16xf32>,
      tpu.wait_dma2 semaphore(%arg47 : memref<!tpu.dma_semaphore, #tpu.memory_space<semaphore_mem>>) src(%arg27 : memref<20480xf32, #tpu.memory_space<vmem_shared>>) dst(%arg33 : memref<20480xf32, #tpu.memory_space<vmem>>)
      tpu.wait_dma2 semaphore(%arg48 : memref<!tpu.dma_semaphore, #tpu.memory_space<semaphore_mem>>) src(%arg28 : memref<20480xf32, #tpu.memory_space<vmem_shared>>) dst(%arg34 : memref<20480xf32, #tpu.memory_space<vmem>>)
      tpu.wait_dma2 semaphore(%arg49 : memref<!tpu.dma_semaphore, #tpu.memory_space<semaphore_mem>>) src(%arg29 : memref<20480xf32, #tpu.memory_space<vmem_shared>>) dst(%arg35 : memref<20480xf32, #tpu.memory_space<vmem>>)
      tpu.wait_dma2 semaphore(%arg50 : memref<!tpu.dma_semaphore, #tpu.memory_space<semaphore_mem>>) src(%arg30 : memref<20480xf32, #tpu.memory_space<vmem_shared>>) dst(%arg36 : memref<20480xf32, #tpu.memory_space<vmem>>)
      tpu.wait_dma2 semaphore(%arg46 : memref<!tpu.dma_semaphore, #tpu.memory_space<semaphore_mem>>) src(%arg2 : memref<20480xf32, #tpu.memory_space<hbm>>) dst(%arg32 : memref<20480xf32, #tpu.memory_space<vmem>>)
      %convert_element_type3A_35 = arith.sitofp %iota3A : vector<16xi32> to vector<16xf32>
      %mul3A = arith.constant 5.000000e+00 : f32
      %mul3A_36 = vector.broadcast %mul3A : f32 to vector<16xf32>
      %mul3A_37 = arith.mulf %convert_element_type3A_35, %mul3A_36 : vector<16xf32>
      %while3A = arith.constant 1.000000e+09 : f32
      %while3A_38 = arith.constant 0 : i32
      %while3A_39 = arith.constant 1 : i32
      %while3A_40:2 = scf.while (%while3A_41 = %while3A_38, %while3A_42 = %while3A_39) : (i32, i32) -> (i32, i32) {
        %lt3A = arith.constant 300 : i32
        %lt3A_43 = arith.cmpi slt, %while3A_41, %lt3A : i32
        %gt3A = arith.constant 0 : i32
        %gt3A_44 = arith.cmpi sgt, %while3A_42, %gt3A : i32
        %and3A_45 = arith.andi %lt3A_43, %gt3A_44 : i1
        scf.condition(%and3A_45) %while3A_41, %while3A_42 : i32, i32
      } do {
      ^bb0(%while3A_41: i32, %while3A_42: i32):
        %get3A = arith.constant 0 : index
        %get3A_43 = tpu.vector_load %arg38[%get3A] {strides = array<i32>} : memref<16xf32, #tpu.memory_space<vmem>>, vector<16xf32>,
        %reduce_max3A = arith.constant true
        %reduce_max3A_44 = vector.broadcast %reduce_max3A : i1 to vector<16xi1>
        %reduce_max3A_45 = tpu.scan <max>, %get3A_43 masked %reduce_max3A_44 : vector<16xf32>, vector<16xi1> -> vector<16xf32>
        %reduce_max3A_46 = vector.extract %reduce_max3A_45[15] : f32 from vector<16xf32>
        %broadcast_in_dim3A_47 = vector.broadcast %reduce_max3A_46 : f32 to vector<16xf32>
        %eq3A_48 = arith.cmpf oeq, %get3A_43, %broadcast_in_dim3A_47 : vector<16xf32>
        %all_reduce_ffs3A = tpu.all_reduce %eq3A_48 {dim = 0 : i64, kind = #tpu.reduction_kind<find_first_set>} : vector<16xi1> -> vector<16xi32>
        %gt3A = arith.constant -1.000000e+30 : f32
        %gt3A_49 = vector.broadcast %gt3A : f32 to vector<16xf32>
        %gt3A_50 = arith.cmpf ogt, %broadcast_in_dim3A_47, %gt3A_49 : vector<16xf32>
        %mul3A_51 = arith.constant 16 : i32
        %mul3A_52 = vector.broadcast %mul3A_51 : i32 to vector<16xi32>
        %mul3A_53 = arith.muli %all_reduce_ffs3A, %mul3A_52 : vector<16xi32>
        %add3A = arith.addi %mul3A_53, %iota3A : vector<16xi32>
        %gather3A = tpu.vector_load_idx %arg37[%add3A] : memref<256xf32, #tpu.memory_space<vmem>>[vector<16xi32>], vector<16xf32>,
        %eq3A_54 = arith.cmpf oeq, %gather3A, %broadcast_in_dim3A_47 : vector<16xf32>
        %all_reduce_ffs3A_55 = tpu.all_reduce %eq3A_54 {dim = 0 : i64, kind = #tpu.reduction_kind<find_first_set>} : vector<16xi1> -> vector<16xi32>
        %mul3A_56 = arith.constant 16 : i32
        %mul3A_57 = vector.broadcast %mul3A_56 : i32 to vector<16xi32>
        %mul3A_58 = arith.muli %all_reduce_ffs3A, %mul3A_57 : vector<16xi32>
        %add3A_59 = arith.addi %mul3A_58, %all_reduce_ffs3A_55 : vector<16xi32>
        %mul3A_60 = arith.constant 80 : i32
        %mul3A_61 = vector.broadcast %mul3A_60 : i32 to vector<16xi32>
        %mul3A_62 = arith.muli %add3A_59, %mul3A_61 : vector<16xi32>
        %mul3A_63 = arith.constant 5 : i32
        %mul3A_64 = vector.broadcast %mul3A_63 : i32 to vector<16xi32>
        %mul3A_65 = arith.muli %iota3A, %mul3A_64 : vector<16xi32>
        %add3A_66 = arith.addi %mul3A_62, %mul3A_65 : vector<16xi32>
        %add3A_67 = arith.constant 0 : i32
        %add3A_68 = vector.broadcast %add3A_67 : i32 to vector<16xi32>
        %add3A_69 = arith.addi %add3A_66, %add3A_68 : vector<16xi32>
        %gather3A_70 = tpu.vector_load_idx %arg32[%add3A_69] : memref<20480xf32, #tpu.memory_space<vmem>>[vector<16xi32>], vector<16xf32>,
        %gt3A_71 = arith.cmpf ogt, %gather3A_70, %broadcast_in_dim3A_2 : vector<16xf32>
        %select_n3A = arith.select %gt3A_71, %broadcast_in_dim3A_2, %gather3A_70 : vector<16xi1>, vector<16xf32>
        %max3A = arith.maximumf %broadcast_in_dim3A_2, %select_n3A : vector<16xf32>
        %add3A_72 = arith.constant 0.000000e+00 : f32
        %add3A_73 = vector.broadcast %add3A_72 : f32 to vector<16xf32>
        %add3A_74 = arith.addf %mul3A_37, %add3A_73 : vector<16xf32>
        %select_n3A_75 = arith.select %gt3A_71, %add3A_74, %broadcast_in_dim3A_0 : vector<16xi1>, vector<16xf32>
        %select_n3A_76 = arith.select %gt3A_71, %gather3A_70, %broadcast_in_dim3A_2 : vector<16xi1>, vector<16xf32>
        %add3A_77 = arith.constant 1 : i32
        %add3A_78 = vector.broadcast %add3A_77 : i32 to vector<16xi32>
        %add3A_79 = arith.addi %add3A_66, %add3A_78 : vector<16xi32>
        %gather3A_80 = tpu.vector_load_idx %arg32[%add3A_79] : memref<20480xf32, #tpu.memory_space<vmem>>[vector<16xi32>], vector<16xf32>,
        %gt3A_81 = arith.cmpf ogt, %gather3A_80, %select_n3A_76 : vector<16xf32>
        %select_n3A_82 = arith.select %gt3A_81, %select_n3A_76, %gather3A_80 : vector<16xi1>, vector<16xf32>
        %max3A_83 = arith.maximumf %max3A, %select_n3A_82 : vector<16xf32>
        %add3A_84 = arith.constant 1.000000e+00 : f32
        %add3A_85 = vector.broadcast %add3A_84 : f32 to vector<16xf32>
        %add3A_86 = arith.addf %mul3A_37, %add3A_85 : vector<16xf32>
        %select_n3A_87 = arith.select %gt3A_81, %add3A_86, %select_n3A_75 : vector<16xi1>, vector<16xf32>
        %select_n3A_88 = arith.select %gt3A_81, %gather3A_80, %select_n3A_76 : vector<16xi1>, vector<16xf32>
        %add3A_89 = arith.constant 2 : i32
        %add3A_90 = vector.broadcast %add3A_89 : i32 to vector<16xi32>
        %add3A_91 = arith.addi %add3A_66, %add3A_90 : vector<16xi32>
        %gather3A_92 = tpu.vector_load_idx %arg32[%add3A_91] : memref<20480xf32, #tpu.memory_space<vmem>>[vector<16xi32>], vector<16xf32>,
        %gt3A_93 = arith.cmpf ogt, %gather3A_92, %select_n3A_88 : vector<16xf32>
        %select_n3A_94 = arith.select %gt3A_93, %select_n3A_88, %gather3A_92 : vector<16xi1>, vector<16xf32>
        %max3A_95 = arith.maximumf %max3A_83, %select_n3A_94 : vector<16xf32>
        %add3A_96 = arith.constant 2.000000e+00 : f32
        %add3A_97 = vector.broadcast %add3A_96 : f32 to vector<16xf32>
        %add3A_98 = arith.addf %mul3A_37, %add3A_97 : vector<16xf32>
        %select_n3A_99 = arith.select %gt3A_93, %add3A_98, %select_n3A_87 : vector<16xi1>, vector<16xf32>
        %select_n3A_100 = arith.select %gt3A_93, %gather3A_92, %select_n3A_88 : vector<16xi1>, vector<16xf32>
        %add3A_101 = arith.constant 3 : i32
        %add3A_102 = vector.broadcast %add3A_101 : i32 to vector<16xi32>
        %add3A_103 = arith.addi %add3A_66, %add3A_102 : vector<16xi32>
        %gather3A_104 = tpu.vector_load_idx %arg32[%add3A_103] : memref<20480xf32, #tpu.memory_space<vmem>>[vector<16xi32>], vector<16xf32>,
        %gt3A_105 = arith.cmpf ogt, %gather3A_104, %select_n3A_100 : vector<16xf32>
        %select_n3A_106 = arith.select %gt3A_105, %select_n3A_100, %gather3A_104 : vector<16xi1>, vector<16xf32>
        %max3A_107 = arith.maximumf %max3A_95, %select_n3A_106 : vector<16xf32>
        %add3A_108 = arith.constant 3.000000e+00 : f32
        %add3A_109 = vector.broadcast %add3A_108 : f32 to vector<16xf32>
        %add3A_110 = arith.addf %mul3A_37, %add3A_109 : vector<16xf32>
        %select_n3A_111 = arith.select %gt3A_105, %add3A_110, %select_n3A_99 : vector<16xi1>, vector<16xf32>
        %select_n3A_112 = arith.select %gt3A_105, %gather3A_104, %select_n3A_100 : vector<16xi1>, vector<16xf32>
        %add3A_113 = arith.constant 4 : i32
        %add3A_114 = vector.broadcast %add3A_113 : i32 to vector<16xi32>
        %add3A_115 = arith.addi %add3A_66, %add3A_114 : vector<16xi32>
        %gather3A_116 = tpu.vector_load_idx %arg32[%add3A_115] : memref<20480xf32, #tpu.memory_space<vmem>>[vector<16xi32>], vector<16xf32>,
        %gt3A_117 = arith.cmpf ogt, %gather3A_116, %select_n3A_112 : vector<16xf32>
        %select_n3A_118 = arith.select %gt3A_117, %select_n3A_112, %gather3A_116 : vector<16xi1>, vector<16xf32>
        %max3A_119 = arith.maximumf %max3A_107, %select_n3A_118 : vector<16xf32>
        %add3A_120 = arith.constant 4.000000e+00 : f32
        %add3A_121 = vector.broadcast %add3A_120 : f32 to vector<16xf32>
        %add3A_122 = arith.addf %mul3A_37, %add3A_121 : vector<16xf32>
        %select_n3A_123 = arith.select %gt3A_117, %add3A_122, %select_n3A_111 : vector<16xi1>, vector<16xf32>
        %select_n3A_124 = arith.select %gt3A_117, %gather3A_116, %select_n3A_112 : vector<16xi1>, vector<16xf32>
        %eq3A_125 = arith.cmpf oeq, %select_n3A_124, %broadcast_in_dim3A_47 : vector<16xf32>
        %broadcast_in_dim3A_126 = vector.broadcast %while3A : f32 to vector<16xf32>
        %select_n3A_127 = arith.select %eq3A_125, %select_n3A_123, %broadcast_in_dim3A_126 : vector<16xi1>, vector<16xf32>
        %reduce_min3A = arith.constant true
        %reduce_min3A_128 = vector.broadcast %reduce_min3A : i1 to vector<16xi1>
        %reduce_min3A_129 = tpu.scan <min>, %select_n3A_127 masked %reduce_min3A_128 : vector<16xf32>, vector<16xi1> -> vector<16xf32>
        %reduce_min3A_130 = vector.extract %reduce_min3A_129[15] : f32 from vector<16xf32>
        %broadcast_in_dim3A_131 = vector.broadcast %reduce_min3A_130 : f32 to vector<16xf32>
        %convert_element_type3A_132 = arith.fptosi %broadcast_in_dim3A_131 : vector<16xf32> to vector<16xi32>
        %all_reduce_ffs3A_133 = tpu.all_reduce %eq3A_125 {dim = 0 : i64, kind = #tpu.reduction_kind<find_first_set>} : vector<16xi1> -> vector<16xi32>
        %mul3A_134 = arith.constant 80 : i32
        %mul3A_135 = vector.broadcast %mul3A_134 : i32 to vector<16xi32>
        %mul3A_136 = arith.muli %add3A_59, %mul3A_135 : vector<16xi32>
        %add3A_137 = arith.addi %mul3A_136, %convert_element_type3A_132 : vector<16xi32>
        %eq3A_138 = arith.constant 0 : i32
        %eq3A_139 = vector.broadcast %eq3A_138 : i32 to vector<16xi32>
        %eq3A_140 = arith.cmpi eq, %iota3A, %eq3A_139 : vector<16xi32>
        tpu.vector_store_idx %arg32[%add3A_137], %broadcast_in_dim3A_2 masked %eq3A_140 : memref<20480xf32, #tpu.memory_space<vmem>>[vector<16xi32>], vector<16xf32>, vector<16xi1>
        %eq3A_141 = arith.cmpi eq, %iota3A, %all_reduce_ffs3A_133 : vector<16xi32>
        %select_n3A_142 = arith.select %eq3A_141, %max3A_119, %select_n3A_124 : vector<16xi1>, vector<16xf32>
        %reduce_max3A_143 = arith.constant true
        %reduce_max3A_144 = vector.broadcast %reduce_max3A_143 : i1 to vector<16xi1>
        %reduce_max3A_145 = tpu.scan <max>, %select_n3A_142 masked %reduce_max3A_144 : vector<16xf32>, vector<16xi1> -> vector<16xf32>
        %reduce_max3A_146 = vector.extract %reduce_max3A_145[15] : f32 from vector<16xf32>
        %broadcast_in_dim3A_147 = vector.broadcast %reduce_max3A_146 : f32 to vector<16xf32>
        %eq3A_148 = arith.cmpi eq, %iota3A, %all_reduce_ffs3A_55 : vector<16xi32>
        %select_n3A_149 = arith.select %eq3A_148, %broadcast_in_dim3A_147, %gather3A : vector<16xi1>, vector<16xf32>
        %eq3A_150 = arith.constant 0 : i32
        %eq3A_151 = vector.broadcast %eq3A_150 : i32 to vector<16xi32>
        %eq3A_152 = arith.cmpi eq, %iota3A, %eq3A_151 : vector<16xi32>
        tpu.vector_store_idx %arg37[%add3A_59], %broadcast_in_dim3A_147 masked %eq3A_152 : memref<256xf32, #tpu.memory_space<vmem>>[vector<16xi32>], vector<16xf32>, vector<16xi1>
        %reduce_max3A_153 = arith.constant true
        %reduce_max3A_154 = vector.broadcast %reduce_max3A_153 : i1 to vector<16xi1>
        %reduce_max3A_155 = tpu.scan <max>, %select_n3A_149 masked %reduce_max3A_154 : vector<16xf32>, vector<16xi1> -> vector<16xf32>
        %reduce_max3A_156 = vector.extract %reduce_max3A_155[15] : f32 from vector<16xf32>
        %broadcast_in_dim3A_157 = vector.broadcast %reduce_max3A_156 : f32 to vector<16xf32>
        %eq3A_158 = arith.constant 0 : i32
        %eq3A_159 = vector.broadcast %eq3A_158 : i32 to vector<16xi32>
        %eq3A_160 = arith.cmpi eq, %iota3A, %eq3A_159 : vector<16xi32>
        tpu.vector_store_idx %arg38[%all_reduce_ffs3A], %broadcast_in_dim3A_157 masked %eq3A_160 : memref<16xf32, #tpu.memory_space<vmem>>[vector<16xi32>], vector<16xf32>, vector<16xi1>
        %gather3A_161 = tpu.vector_load_idx %arg33[%add3A_137] : memref<20480xf32, #tpu.memory_space<vmem>>[vector<16xi32>], vector<16xf32>,
        %gather3A_162 = tpu.vector_load_idx %arg34[%add3A_137] : memref<20480xf32, #tpu.memory_space<vmem>>[vector<16xi32>], vector<16xf32>,
        %gather3A_163 = tpu.vector_load_idx %arg35[%add3A_137] : memref<20480xf32, #tpu.memory_space<vmem>>[vector<16xi32>], vector<16xf32>,
        %gather3A_164 = tpu.vector_load_idx %arg36[%add3A_137] : memref<20480xf32, #tpu.memory_space<vmem>>[vector<16xi32>], vector<16xf32>,
        %sub3A = arith.subf %gather3A_163, %gather3A_161 : vector<16xf32>
        %max3A_165 = arith.constant 0.000000e+00 : f32
        %max3A_166 = vector.broadcast %max3A_165 : f32 to vector<16xf32>
        %max3A_167 = arith.maximumf %sub3A, %max3A_166 : vector<16xf32>
        %sub3A_168 = arith.subf %gather3A_164, %gather3A_162 : vector<16xf32>
        %max3A_169 = arith.constant 0.000000e+00 : f32
        %max3A_170 = vector.broadcast %max3A_169 : f32 to vector<16xf32>
        %max3A_171 = arith.maximumf %sub3A_168, %max3A_170 : vector<16xf32>
        %mul3A_172 = arith.mulf %max3A_167, %max3A_171 : vector<16xf32>
        %add3A_173 = arith.constant 63 : i32
        %add3A_174 = arith.addi %while3A_41, %add3A_173 : i32
        %jit3A = arith.constant 64 : i32
        %div3A = arith.divsi %add3A_174, %jit3A : i32
        %sign3A = arith.constant 0 : i32
        %sign3A_175 = arith.cmpi sgt, %add3A_174, %sign3A : i32
        %sign3A_176 = arith.extui %sign3A_175 : i1 to i32
        %sign3A_177 = arith.constant 0 : i32
        %sign3A_178 = arith.cmpi slt, %add3A_174, %sign3A_177 : i32
        %sign3A_179 = arith.extui %sign3A_178 : i1 to i32
        %sign3A_180 = arith.subi %sign3A_176, %sign3A_179 : i32
        %sign3A_181 = arith.constant 0 : i32
        %sign3A_182 = arith.cmpi sgt, %jit3A, %sign3A_181 : i32
        %sign3A_183 = arith.extui %sign3A_182 : i1 to i32
        %sign3A_184 = arith.constant 0 : i32
        %sign3A_185 = arith.cmpi slt, %jit3A, %sign3A_184 : i32
        %sign3A_186 = arith.extui %sign3A_185 : i1 to i32
        %sign3A_187 = arith.subi %sign3A_183, %sign3A_186 : i32
        %ne3A = arith.cmpi ne, %sign3A_180, %sign3A_187 : i32
        %rem3A = arith.remsi %add3A_174, %jit3A : i32
        %ne3A_188 = arith.constant 0 : i32
        %ne3A_189 = arith.cmpi ne, %rem3A, %ne3A_188 : i32
        %and3A_190 = arith.andi %ne3A, %ne3A_189 : i1
        %sub3A_191 = arith.constant 1 : i32
        %sub3A_192 = arith.subi %div3A, %sub3A_191 : i32
        %select_n3A_193 = arith.select %and3A_190, %sub3A_192, %div3A : i32
        %while3A_194 = arith.constant 0 : i32
        %while3A_195 = arith.subi %select_n3A_193, %while3A_194 : i32
        %while3A_196 = arith.addi %while3A_194, %while3A_195 : i32
        %while3A_197 = arith.constant 1 : i32
        %while3A_198 = arith.divsi %while3A_195, %while3A_197 : i32
        %while3A_199 = arith.muli %while3A_198, %while3A_197 : i32
        %while3A_200 = arith.addi %while3A_194, %while3A_199 : i32
        %while3A_201 = arith.constant 1 : i32
        %while3A_202:4 = scf.for %while3A_283 = %while3A_194 to %while3A_200 step %while3A_201 iter_args(%while3A_284 = %broadcast_in_dim3A_0, %while3A_285 = %broadcast_in_dim3A_0, %while3A_286 = %broadcast_in_dim3A_0, %while3A_287 = %broadcast_in_dim3A_0) -> (vector<16xf32>, vector<16xf32>, vector<16xf32>, vector<16xf32>)  : i32 {
          %mul3A_288 = arith.constant 64 : i32
          %mul3A_289 = arith.muli %while3A_283, %mul3A_288 : i32
          %get3A_290 = arith.index_cast %mul3A_289 : i32 to index
          %get3A_291 = tpu.vector_load %arg39[%get3A_290] {strides = array<i32>} : memref<320xf32, #tpu.memory_space<vmem>>, vector<16xf32>,
          %max3A_292 = arith.maximumf %get3A_291, %gather3A_161 : vector<16xf32>
          %get3A_293 = arith.index_cast %mul3A_289 : i32 to index
          %get3A_294 = tpu.vector_load %arg40[%get3A_293] {strides = array<i32>} : memref<320xf32, #tpu.memory_space<vmem>>, vector<16xf32>,
          %max3A_295 = arith.maximumf %get3A_294, %gather3A_162 : vector<16xf32>
          %get3A_296 = arith.index_cast %mul3A_289 : i32 to index
          %get3A_297 = tpu.vector_load %arg41[%get3A_296] {strides = array<i32>} : memref<320xf32, #tpu.memory_space<vmem>>, vector<16xf32>,
          %min3A = arith.minimumf %get3A_297, %gather3A_163 : vector<16xf32>
          %get3A_298 = arith.index_cast %mul3A_289 : i32 to index
          %get3A_299 = tpu.vector_load %arg42[%get3A_298] {strides = array<i32>} : memref<320xf32, #tpu.memory_space<vmem>>, vector<16xf32>,
          %min3A_300 = arith.minimumf %get3A_299, %gather3A_164 : vector<16xf32>
          %sub3A_301 = arith.subf %min3A, %max3A_292 : vector<16xf32>
          %max3A_302 = arith.constant 0.000000e+00 : f32
          %max3A_303 = vector.broadcast %max3A_302 : f32 to vector<16xf32>
          %max3A_304 = arith.maximumf %sub3A_301, %max3A_303 : vector<16xf32>
          %sub3A_305 = arith.subf %min3A_300, %max3A_295 : vector<16xf32>
          %max3A_306 = arith.constant 0.000000e+00 : f32
          %max3A_307 = vector.broadcast %max3A_306 : f32 to vector<16xf32>
          %max3A_308 = arith.maximumf %sub3A_305, %max3A_307 : vector<16xf32>
          %mul3A_309 = arith.mulf %max3A_304, %max3A_308 : vector<16xf32>
          %get3A_310 = arith.index_cast %mul3A_289 : i32 to index
          %get3A_311 = tpu.vector_load %arg43[%get3A_310] {strides = array<i32>} : memref<320xf32, #tpu.memory_space<vmem>>, vector<16xf32>,
          %add3A_312 = arith.addf %get3A_311, %mul3A_172 : vector<16xf32>
          %sub3A_313 = arith.subf %add3A_312, %mul3A_309 : vector<16xf32>
          %add3A_314 = arith.constant 9.99999971E-10 : f32
          %add3A_315 = vector.broadcast %add3A_314 : f32 to vector<16xf32>
          %add3A_316 = arith.addf %sub3A_313, %add3A_315 : vector<16xf32>
          %div3A_317 = arith.divf %mul3A_309, %add3A_316 : vector<16xf32>
          %max3A_318 = arith.maximumf %while3A_284, %div3A_317 : vector<16xf32>
          %add3A_319 = arith.constant 16 : i32
          %add3A_320 = arith.addi %mul3A_289, %add3A_319 : i32
          %get3A_321 = arith.index_cast %add3A_320 : i32 to index
          %get3A_322 = tpu.vector_load %arg39[%get3A_321] {strides = array<i32>} : memref<320xf32, #tpu.memory_space<vmem>>, vector<16xf32>,
          %max3A_323 = arith.maximumf %get3A_322, %gather3A_161 : vector<16xf32>
          %get3A_324 = arith.index_cast %add3A_320 : i32 to index
          %get3A_325 = tpu.vector_load %arg40[%get3A_324] {strides = array<i32>} : memref<320xf32, #tpu.memory_space<vmem>>, vector<16xf32>,
          %max3A_326 = arith.maximumf %get3A_325, %gather3A_162 : vector<16xf32>
          %get3A_327 = arith.index_cast %add3A_320 : i32 to index
          %get3A_328 = tpu.vector_load %arg41[%get3A_327] {strides = array<i32>} : memref<320xf32, #tpu.memory_space<vmem>>, vector<16xf32>,
          %min3A_329 = arith.minimumf %get3A_328, %gather3A_163 : vector<16xf32>
          %get3A_330 = arith.index_cast %add3A_320 : i32 to index
          %get3A_331 = tpu.vector_load %arg42[%get3A_330] {strides = array<i32>} : memref<320xf32, #tpu.memory_space<vmem>>, vector<16xf32>,
          %min3A_332 = arith.minimumf %get3A_331, %gather3A_164 : vector<16xf32>
          %sub3A_333 = arith.subf %min3A_329, %max3A_323 : vector<16xf32>
          %max3A_334 = arith.constant 0.000000e+00 : f32
          %max3A_335 = vector.broadcast %max3A_334 : f32 to vector<16xf32>
          %max3A_336 = arith.maximumf %sub3A_333, %max3A_335 : vector<16xf32>
          %sub3A_337 = arith.subf %min3A_332, %max3A_326 : vector<16xf32>
          %max3A_338 = arith.constant 0.000000e+00 : f32
          %max3A_339 = vector.broadcast %max3A_338 : f32 to vector<16xf32>
          %max3A_340 = arith.maximumf %sub3A_337, %max3A_339 : vector<16xf32>
          %mul3A_341 = arith.mulf %max3A_336, %max3A_340 : vector<16xf32>
          %get3A_342 = arith.index_cast %add3A_320 : i32 to index
          %get3A_343 = tpu.vector_load %arg43[%get3A_342] {strides = array<i32>} : memref<320xf32, #tpu.memory_space<vmem>>, vector<16xf32>,
          %add3A_344 = arith.addf %get3A_343, %mul3A_172 : vector<16xf32>
          %sub3A_345 = arith.subf %add3A_344, %mul3A_341 : vector<16xf32>
          %add3A_346 = arith.constant 9.99999971E-10 : f32
          %add3A_347 = vector.broadcast %add3A_346 : f32 to vector<16xf32>
          %add3A_348 = arith.addf %sub3A_345, %add3A_347 : vector<16xf32>
          %div3A_349 = arith.divf %mul3A_341, %add3A_348 : vector<16xf32>
          %max3A_350 = arith.maximumf %while3A_285, %div3A_349 : vector<16xf32>
          %add3A_351 = arith.constant 32 : i32
          %add3A_352 = arith.addi %mul3A_289, %add3A_351 : i32
          %get3A_353 = arith.index_cast %add3A_352 : i32 to index
          %get3A_354 = tpu.vector_load %arg39[%get3A_353] {strides = array<i32>} : memref<320xf32, #tpu.memory_space<vmem>>, vector<16xf32>,
          %max3A_355 = arith.maximumf %get3A_354, %gather3A_161 : vector<16xf32>
          %get3A_356 = arith.index_cast %add3A_352 : i32 to index
          %get3A_357 = tpu.vector_load %arg40[%get3A_356] {strides = array<i32>} : memref<320xf32, #tpu.memory_space<vmem>>, vector<16xf32>,
          %max3A_358 = arith.maximumf %get3A_357, %gather3A_162 : vector<16xf32>
          %get3A_359 = arith.index_cast %add3A_352 : i32 to index
          %get3A_360 = tpu.vector_load %arg41[%get3A_359] {strides = array<i32>} : memref<320xf32, #tpu.memory_space<vmem>>, vector<16xf32>,
          %min3A_361 = arith.minimumf %get3A_360, %gather3A_163 : vector<16xf32>
          %get3A_362 = arith.index_cast %add3A_352 : i32 to index
          %get3A_363 = tpu.vector_load %arg42[%get3A_362] {strides = array<i32>} : memref<320xf32, #tpu.memory_space<vmem>>, vector<16xf32>,
          %min3A_364 = arith.minimumf %get3A_363, %gather3A_164 : vector<16xf32>
          %sub3A_365 = arith.subf %min3A_361, %max3A_355 : vector<16xf32>
          %max3A_366 = arith.constant 0.000000e+00 : f32
          %max3A_367 = vector.broadcast %max3A_366 : f32 to vector<16xf32>
          %max3A_368 = arith.maximumf %sub3A_365, %max3A_367 : vector<16xf32>
          %sub3A_369 = arith.subf %min3A_364, %max3A_358 : vector<16xf32>
          %max3A_370 = arith.constant 0.000000e+00 : f32
          %max3A_371 = vector.broadcast %max3A_370 : f32 to vector<16xf32>
          %max3A_372 = arith.maximumf %sub3A_369, %max3A_371 : vector<16xf32>
          %mul3A_373 = arith.mulf %max3A_368, %max3A_372 : vector<16xf32>
          %get3A_374 = arith.index_cast %add3A_352 : i32 to index
          %get3A_375 = tpu.vector_load %arg43[%get3A_374] {strides = array<i32>} : memref<320xf32, #tpu.memory_space<vmem>>, vector<16xf32>,
          %add3A_376 = arith.addf %get3A_375, %mul3A_172 : vector<16xf32>
          %sub3A_377 = arith.subf %add3A_376, %mul3A_373 : vector<16xf32>
          %add3A_378 = arith.constant 9.99999971E-10 : f32
          %add3A_379 = vector.broadcast %add3A_378 : f32 to vector<16xf32>
          %add3A_380 = arith.addf %sub3A_377, %add3A_379 : vector<16xf32>
          %div3A_381 = arith.divf %mul3A_373, %add3A_380 : vector<16xf32>
          %max3A_382 = arith.maximumf %while3A_286, %div3A_381 : vector<16xf32>
          %add3A_383 = arith.constant 48 : i32
          %add3A_384 = arith.addi %mul3A_289, %add3A_383 : i32
          %get3A_385 = arith.index_cast %add3A_384 : i32 to index
          %get3A_386 = tpu.vector_load %arg39[%get3A_385] {strides = array<i32>} : memref<320xf32, #tpu.memory_space<vmem>>, vector<16xf32>,
          %max3A_387 = arith.maximumf %get3A_386, %gather3A_161 : vector<16xf32>
          %get3A_388 = arith.index_cast %add3A_384 : i32 to index
          %get3A_389 = tpu.vector_load %arg40[%get3A_388] {strides = array<i32>} : memref<320xf32, #tpu.memory_space<vmem>>, vector<16xf32>,
          %max3A_390 = arith.maximumf %get3A_389, %gather3A_162 : vector<16xf32>
          %get3A_391 = arith.index_cast %add3A_384 : i32 to index
          %get3A_392 = tpu.vector_load %arg41[%get3A_391] {strides = array<i32>} : memref<320xf32, #tpu.memory_space<vmem>>, vector<16xf32>,
          %min3A_393 = arith.minimumf %get3A_392, %gather3A_163 : vector<16xf32>
          %get3A_394 = arith.index_cast %add3A_384 : i32 to index
          %get3A_395 = tpu.vector_load %arg42[%get3A_394] {strides = array<i32>} : memref<320xf32, #tpu.memory_space<vmem>>, vector<16xf32>,
          %min3A_396 = arith.minimumf %get3A_395, %gather3A_164 : vector<16xf32>
          %sub3A_397 = arith.subf %min3A_393, %max3A_387 : vector<16xf32>
          %max3A_398 = arith.constant 0.000000e+00 : f32
          %max3A_399 = vector.broadcast %max3A_398 : f32 to vector<16xf32>
          %max3A_400 = arith.maximumf %sub3A_397, %max3A_399 : vector<16xf32>
          %sub3A_401 = arith.subf %min3A_396, %max3A_390 : vector<16xf32>
          %max3A_402 = arith.constant 0.000000e+00 : f32
          %max3A_403 = vector.broadcast %max3A_402 : f32 to vector<16xf32>
          %max3A_404 = arith.maximumf %sub3A_401, %max3A_403 : vector<16xf32>
          %mul3A_405 = arith.mulf %max3A_400, %max3A_404 : vector<16xf32>
          %get3A_406 = arith.index_cast %add3A_384 : i32 to index
          %get3A_407 = tpu.vector_load %arg43[%get3A_406] {strides = array<i32>} : memref<320xf32, #tpu.memory_space<vmem>>, vector<16xf32>,
          %add3A_408 = arith.addf %get3A_407, %mul3A_172 : vector<16xf32>
          %sub3A_409 = arith.subf %add3A_408, %mul3A_405 : vector<16xf32>
          %add3A_410 = arith.constant 9.99999971E-10 : f32
          %add3A_411 = vector.broadcast %add3A_410 : f32 to vector<16xf32>
          %add3A_412 = arith.addf %sub3A_409, %add3A_411 : vector<16xf32>
          %div3A_413 = arith.divf %mul3A_405, %add3A_412 : vector<16xf32>
          %max3A_414 = arith.maximumf %while3A_287, %div3A_413 : vector<16xf32>
          scf.yield %max3A_318, %max3A_350, %max3A_382, %max3A_414 : vector<16xf32>, vector<16xf32>, vector<16xf32>, vector<16xf32>
        }
        %while3A_203 = arith.constant 1 : i32
        %while3A_204:4 = scf.for %while3A_283 = %while3A_200 to %while3A_196 step %while3A_203 iter_args(%while3A_284 = %while3A_202#0, %while3A_285 = %while3A_202#1, %while3A_286 = %while3A_202#2, %while3A_287 = %while3A_202#3) -> (vector<16xf32>, vector<16xf32>, vector<16xf32>, vector<16xf32>)  : i32 {
          %mul3A_288 = arith.constant 64 : i32
          %mul3A_289 = arith.muli %while3A_283, %mul3A_288 : i32
          %get3A_290 = arith.index_cast %mul3A_289 : i32 to index
          %get3A_291 = tpu.vector_load %arg39[%get3A_290] {strides = array<i32>} : memref<320xf32, #tpu.memory_space<vmem>>, vector<16xf32>,
          %max3A_292 = arith.maximumf %get3A_291, %gather3A_161 : vector<16xf32>
          %get3A_293 = arith.index_cast %mul3A_289 : i32 to index
          %get3A_294 = tpu.vector_load %arg40[%get3A_293] {strides = array<i32>} : memref<320xf32, #tpu.memory_space<vmem>>, vector<16xf32>,
          %max3A_295 = arith.maximumf %get3A_294, %gather3A_162 : vector<16xf32>
          %get3A_296 = arith.index_cast %mul3A_289 : i32 to index
          %get3A_297 = tpu.vector_load %arg41[%get3A_296] {strides = array<i32>} : memref<320xf32, #tpu.memory_space<vmem>>, vector<16xf32>,
          %min3A = arith.minimumf %get3A_297, %gather3A_163 : vector<16xf32>
          %get3A_298 = arith.index_cast %mul3A_289 : i32 to index
          %get3A_299 = tpu.vector_load %arg42[%get3A_298] {strides = array<i32>} : memref<320xf32, #tpu.memory_space<vmem>>, vector<16xf32>,
          %min3A_300 = arith.minimumf %get3A_299, %gather3A_164 : vector<16xf32>
          %sub3A_301 = arith.subf %min3A, %max3A_292 : vector<16xf32>
          %max3A_302 = arith.constant 0.000000e+00 : f32
          %max3A_303 = vector.broadcast %max3A_302 : f32 to vector<16xf32>
          %max3A_304 = arith.maximumf %sub3A_301, %max3A_303 : vector<16xf32>
          %sub3A_305 = arith.subf %min3A_300, %max3A_295 : vector<16xf32>
          %max3A_306 = arith.constant 0.000000e+00 : f32
          %max3A_307 = vector.broadcast %max3A_306 : f32 to vector<16xf32>
          %max3A_308 = arith.maximumf %sub3A_305, %max3A_307 : vector<16xf32>
          %mul3A_309 = arith.mulf %max3A_304, %max3A_308 : vector<16xf32>
          %get3A_310 = arith.index_cast %mul3A_289 : i32 to index
          %get3A_311 = tpu.vector_load %arg43[%get3A_310] {strides = array<i32>} : memref<320xf32, #tpu.memory_space<vmem>>, vector<16xf32>,
          %add3A_312 = arith.addf %get3A_311, %mul3A_172 : vector<16xf32>
          %sub3A_313 = arith.subf %add3A_312, %mul3A_309 : vector<16xf32>
          %add3A_314 = arith.constant 9.99999971E-10 : f32
          %add3A_315 = vector.broadcast %add3A_314 : f32 to vector<16xf32>
          %add3A_316 = arith.addf %sub3A_313, %add3A_315 : vector<16xf32>
          %div3A_317 = arith.divf %mul3A_309, %add3A_316 : vector<16xf32>
          %max3A_318 = arith.maximumf %while3A_284, %div3A_317 : vector<16xf32>
          %add3A_319 = arith.constant 16 : i32
          %add3A_320 = arith.addi %mul3A_289, %add3A_319 : i32
          %get3A_321 = arith.index_cast %add3A_320 : i32 to index
          %get3A_322 = tpu.vector_load %arg39[%get3A_321] {strides = array<i32>} : memref<320xf32, #tpu.memory_space<vmem>>, vector<16xf32>,
          %max3A_323 = arith.maximumf %get3A_322, %gather3A_161 : vector<16xf32>
          %get3A_324 = arith.index_cast %add3A_320 : i32 to index
          %get3A_325 = tpu.vector_load %arg40[%get3A_324] {strides = array<i32>} : memref<320xf32, #tpu.memory_space<vmem>>, vector<16xf32>,
          %max3A_326 = arith.maximumf %get3A_325, %gather3A_162 : vector<16xf32>
          %get3A_327 = arith.index_cast %add3A_320 : i32 to index
          %get3A_328 = tpu.vector_load %arg41[%get3A_327] {strides = array<i32>} : memref<320xf32, #tpu.memory_space<vmem>>, vector<16xf32>,
          %min3A_329 = arith.minimumf %get3A_328, %gather3A_163 : vector<16xf32>
          %get3A_330 = arith.index_cast %add3A_320 : i32 to index
          %get3A_331 = tpu.vector_load %arg42[%get3A_330] {strides = array<i32>} : memref<320xf32, #tpu.memory_space<vmem>>, vector<16xf32>,
          %min3A_332 = arith.minimumf %get3A_331, %gather3A_164 : vector<16xf32>
          %sub3A_333 = arith.subf %min3A_329, %max3A_323 : vector<16xf32>
          %max3A_334 = arith.constant 0.000000e+00 : f32
          %max3A_335 = vector.broadcast %max3A_334 : f32 to vector<16xf32>
          %max3A_336 = arith.maximumf %sub3A_333, %max3A_335 : vector<16xf32>
          %sub3A_337 = arith.subf %min3A_332, %max3A_326 : vector<16xf32>
          %max3A_338 = arith.constant 0.000000e+00 : f32
          %max3A_339 = vector.broadcast %max3A_338 : f32 to vector<16xf32>
          %max3A_340 = arith.maximumf %sub3A_337, %max3A_339 : vector<16xf32>
          %mul3A_341 = arith.mulf %max3A_336, %max3A_340 : vector<16xf32>
          %get3A_342 = arith.index_cast %add3A_320 : i32 to index
          %get3A_343 = tpu.vector_load %arg43[%get3A_342] {strides = array<i32>} : memref<320xf32, #tpu.memory_space<vmem>>, vector<16xf32>,
          %add3A_344 = arith.addf %get3A_343, %mul3A_172 : vector<16xf32>
          %sub3A_345 = arith.subf %add3A_344, %mul3A_341 : vector<16xf32>
          %add3A_346 = arith.constant 9.99999971E-10 : f32
          %add3A_347 = vector.broadcast %add3A_346 : f32 to vector<16xf32>
          %add3A_348 = arith.addf %sub3A_345, %add3A_347 : vector<16xf32>
          %div3A_349 = arith.divf %mul3A_341, %add3A_348 : vector<16xf32>
          %max3A_350 = arith.maximumf %while3A_285, %div3A_349 : vector<16xf32>
          %add3A_351 = arith.constant 32 : i32
          %add3A_352 = arith.addi %mul3A_289, %add3A_351 : i32
          %get3A_353 = arith.index_cast %add3A_352 : i32 to index
          %get3A_354 = tpu.vector_load %arg39[%get3A_353] {strides = array<i32>} : memref<320xf32, #tpu.memory_space<vmem>>, vector<16xf32>,
          %max3A_355 = arith.maximumf %get3A_354, %gather3A_161 : vector<16xf32>
          %get3A_356 = arith.index_cast %add3A_352 : i32 to index
          %get3A_357 = tpu.vector_load %arg40[%get3A_356] {strides = array<i32>} : memref<320xf32, #tpu.memory_space<vmem>>, vector<16xf32>,
          %max3A_358 = arith.maximumf %get3A_357, %gather3A_162 : vector<16xf32>
          %get3A_359 = arith.index_cast %add3A_352 : i32 to index
          %get3A_360 = tpu.vector_load %arg41[%get3A_359] {strides = array<i32>} : memref<320xf32, #tpu.memory_space<vmem>>, vector<16xf32>,
          %min3A_361 = arith.minimumf %get3A_360, %gather3A_163 : vector<16xf32>
          %get3A_362 = arith.index_cast %add3A_352 : i32 to index
          %get3A_363 = tpu.vector_load %arg42[%get3A_362] {strides = array<i32>} : memref<320xf32, #tpu.memory_space<vmem>>, vector<16xf32>,
          %min3A_364 = arith.minimumf %get3A_363, %gather3A_164 : vector<16xf32>
          %sub3A_365 = arith.subf %min3A_361, %max3A_355 : vector<16xf32>
          %max3A_366 = arith.constant 0.000000e+00 : f32
          %max3A_367 = vector.broadcast %max3A_366 : f32 to vector<16xf32>
          %max3A_368 = arith.maximumf %sub3A_365, %max3A_367 : vector<16xf32>
          %sub3A_369 = arith.subf %min3A_364, %max3A_358 : vector<16xf32>
          %max3A_370 = arith.constant 0.000000e+00 : f32
          %max3A_371 = vector.broadcast %max3A_370 : f32 to vector<16xf32>
          %max3A_372 = arith.maximumf %sub3A_369, %max3A_371 : vector<16xf32>
          %mul3A_373 = arith.mulf %max3A_368, %max3A_372 : vector<16xf32>
          %get3A_374 = arith.index_cast %add3A_352 : i32 to index
          %get3A_375 = tpu.vector_load %arg43[%get3A_374] {strides = array<i32>} : memref<320xf32, #tpu.memory_space<vmem>>, vector<16xf32>,
          %add3A_376 = arith.addf %get3A_375, %mul3A_172 : vector<16xf32>
          %sub3A_377 = arith.subf %add3A_376, %mul3A_373 : vector<16xf32>
          %add3A_378 = arith.constant 9.99999971E-10 : f32
          %add3A_379 = vector.broadcast %add3A_378 : f32 to vector<16xf32>
          %add3A_380 = arith.addf %sub3A_377, %add3A_379 : vector<16xf32>
          %div3A_381 = arith.divf %mul3A_373, %add3A_380 : vector<16xf32>
          %max3A_382 = arith.maximumf %while3A_286, %div3A_381 : vector<16xf32>
          %add3A_383 = arith.constant 48 : i32
          %add3A_384 = arith.addi %mul3A_289, %add3A_383 : i32
          %get3A_385 = arith.index_cast %add3A_384 : i32 to index
          %get3A_386 = tpu.vector_load %arg39[%get3A_385] {strides = array<i32>} : memref<320xf32, #tpu.memory_space<vmem>>, vector<16xf32>,
          %max3A_387 = arith.maximumf %get3A_386, %gather3A_161 : vector<16xf32>
          %get3A_388 = arith.index_cast %add3A_384 : i32 to index
          %get3A_389 = tpu.vector_load %arg40[%get3A_388] {strides = array<i32>} : memref<320xf32, #tpu.memory_space<vmem>>, vector<16xf32>,
          %max3A_390 = arith.maximumf %get3A_389, %gather3A_162 : vector<16xf32>
          %get3A_391 = arith.index_cast %add3A_384 : i32 to index
          %get3A_392 = tpu.vector_load %arg41[%get3A_391] {strides = array<i32>} : memref<320xf32, #tpu.memory_space<vmem>>, vector<16xf32>,
          %min3A_393 = arith.minimumf %get3A_392, %gather3A_163 : vector<16xf32>
          %get3A_394 = arith.index_cast %add3A_384 : i32 to index
          %get3A_395 = tpu.vector_load %arg42[%get3A_394] {strides = array<i32>} : memref<320xf32, #tpu.memory_space<vmem>>, vector<16xf32>,
          %min3A_396 = arith.minimumf %get3A_395, %gather3A_164 : vector<16xf32>
          %sub3A_397 = arith.subf %min3A_393, %max3A_387 : vector<16xf32>
          %max3A_398 = arith.constant 0.000000e+00 : f32
          %max3A_399 = vector.broadcast %max3A_398 : f32 to vector<16xf32>
          %max3A_400 = arith.maximumf %sub3A_397, %max3A_399 : vector<16xf32>
          %sub3A_401 = arith.subf %min3A_396, %max3A_390 : vector<16xf32>
          %max3A_402 = arith.constant 0.000000e+00 : f32
          %max3A_403 = vector.broadcast %max3A_402 : f32 to vector<16xf32>
          %max3A_404 = arith.maximumf %sub3A_401, %max3A_403 : vector<16xf32>
          %mul3A_405 = arith.mulf %max3A_400, %max3A_404 : vector<16xf32>
          %get3A_406 = arith.index_cast %add3A_384 : i32 to index
          %get3A_407 = tpu.vector_load %arg43[%get3A_406] {strides = array<i32>} : memref<320xf32, #tpu.memory_space<vmem>>, vector<16xf32>,
          %add3A_408 = arith.addf %get3A_407, %mul3A_172 : vector<16xf32>
          %sub3A_409 = arith.subf %add3A_408, %mul3A_405 : vector<16xf32>
          %add3A_410 = arith.constant 9.99999971E-10 : f32
          %add3A_411 = vector.broadcast %add3A_410 : f32 to vector<16xf32>
          %add3A_412 = arith.addf %sub3A_409, %add3A_411 : vector<16xf32>
          %div3A_413 = arith.divf %mul3A_405, %add3A_412 : vector<16xf32>
          %max3A_414 = arith.maximumf %while3A_287, %div3A_413 : vector<16xf32>
          scf.yield %max3A_318, %max3A_350, %max3A_382, %max3A_414 : vector<16xf32>, vector<16xf32>, vector<16xf32>, vector<16xf32>
        }
        %max3A_205 = arith.maximumf %while3A_204#0, %while3A_204#1 : vector<16xf32>
        %max3A_206 = arith.maximumf %while3A_204#2, %while3A_204#3 : vector<16xf32>
        %max3A_207 = arith.maximumf %max3A_205, %max3A_206 : vector<16xf32>
        %reduce_max3A_208 = arith.constant true
        %reduce_max3A_209 = vector.broadcast %reduce_max3A_208 : i1 to vector<16xi1>
        %reduce_max3A_210 = tpu.scan <max>, %max3A_207 masked %reduce_max3A_209 : vector<16xf32>, vector<16xi1> -> vector<16xf32>
        %reduce_max3A_211 = vector.extract %reduce_max3A_210[15] : f32 from vector<16xf32>
        %broadcast_in_dim3A_212 = vector.broadcast %reduce_max3A_211 : f32 to vector<16xf32>
        %le3A = arith.constant 0.699999988 : f32
        %le3A_213 = vector.broadcast %le3A : f32 to vector<16xf32>
        %le3A_214 = arith.cmpf ole, %broadcast_in_dim3A_212, %le3A_213 : vector<16xf32>
        %and3A_215 = arith.andi %le3A_214, %gt3A_50 : vector<16xi1>
        %eq3A_216 = arith.constant 0 : i32
        %eq3A_217 = vector.broadcast %eq3A_216 : i32 to vector<16xi32>
        %eq3A_218 = arith.cmpi eq, %iota3A, %eq3A_217 : vector<16xi32>
        %and3A_219 = arith.andi %and3A_215, %eq3A_218 : vector<16xi1>
        %broadcast_in_dim3A_220 = vector.broadcast %while3A_41 : i32 to vector<16xi32>
        tpu.vector_store_idx %arg39[%broadcast_in_dim3A_220], %gather3A_161 masked %and3A_219 : memref<320xf32, #tpu.memory_space<vmem>>[vector<16xi32>], vector<16xf32>, vector<16xi1>
        tpu.vector_store_idx %arg40[%broadcast_in_dim3A_220], %gather3A_162 masked %and3A_219 : memref<320xf32, #tpu.memory_space<vmem>>[vector<16xi32>], vector<16xf32>, vector<16xi1>
        tpu.vector_store_idx %arg41[%broadcast_in_dim3A_220], %gather3A_163 masked %and3A_219 : memref<320xf32, #tpu.memory_space<vmem>>[vector<16xi32>], vector<16xf32>, vector<16xi1>
        tpu.vector_store_idx %arg42[%broadcast_in_dim3A_220], %gather3A_164 masked %and3A_219 : memref<320xf32, #tpu.memory_space<vmem>>[vector<16xi32>], vector<16xf32>, vector<16xi1>
        tpu.vector_store_idx %arg43[%broadcast_in_dim3A_220], %mul3A_172 masked %and3A_219 : memref<320xf32, #tpu.memory_space<vmem>>[vector<16xi32>], vector<16xf32>, vector<16xi1>
        %eq3A_221 = arith.constant 0 : i32
        %eq3A_222 = vector.broadcast %eq3A_221 : i32 to vector<16xi32>
        %eq3A_223 = arith.cmpi eq, %iota3A, %eq3A_222 : vector<16xi32>
        %eq3A_224 = arith.constant 1 : i32
        %eq3A_225 = vector.broadcast %eq3A_224 : i32 to vector<16xi32>
        %eq3A_226 = arith.cmpi eq, %iota3A, %eq3A_225 : vector<16xi32>
        %eq3A_227 = arith.constant 2 : i32
        %eq3A_228 = vector.broadcast %eq3A_227 : i32 to vector<16xi32>
        %eq3A_229 = arith.cmpi eq, %iota3A, %eq3A_228 : vector<16xi32>
        %select_n3A_230 = arith.select %eq3A_229, %gather3A_163, %gather3A_164 : vector<16xi1>, vector<16xf32>
        %select_n3A_231 = arith.select %eq3A_226, %gather3A_162, %select_n3A_230 : vector<16xi1>, vector<16xf32>
        %select_n3A_232 = arith.select %eq3A_223, %gather3A_161, %select_n3A_231 : vector<16xi1>, vector<16xf32>
        %mul3A_233 = arith.constant 4 : i32
        %mul3A_234 = vector.broadcast %mul3A_233 : i32 to vector<16xi32>
        %mul3A_235 = arith.muli %mul3A_234, %broadcast_in_dim3A_220 : vector<16xi32>
        %add3A_236 = arith.addi %mul3A_235, %iota3A : vector<16xi32>
        %lt3A = arith.constant 4 : i32
        %lt3A_237 = vector.broadcast %lt3A : i32 to vector<16xi32>
        %lt3A_238 = arith.cmpi slt, %iota3A, %lt3A_237 : vector<16xi32>
        %and3A_239 = arith.andi %and3A_215, %lt3A_238 : vector<16xi1>
        tpu.vector_store_idx %arg44[%add3A_236], %select_n3A_232 masked %and3A_239 : memref<1280xf32, #tpu.memory_space<vmem>>[vector<16xi32>], vector<16xf32>, vector<16xi1>
        %jit3A_240 = arith.constant 1.000000e+00 : f32
        %jit3A_241 = arith.constant 0.000000e+00 : f32
        %broadcast_in_dim3A_242 = vector.broadcast %jit3A_240 : f32 to vector<16xf32>
        %broadcast_in_dim3A_243 = vector.broadcast %jit3A_241 : f32 to vector<16xf32>
        %select_n3A_244 = arith.select %and3A_215, %broadcast_in_dim3A_242, %broadcast_in_dim3A_243 : vector<16xi1>, vector<16xf32>
        %jit3A_245 = arith.constant 2.000000e+00 : f32
        %jit3A_246 = arith.constant 0.000000e+00 : f32
        %broadcast_in_dim3A_247 = vector.broadcast %jit3A_245 : f32 to vector<16xf32>
        %broadcast_in_dim3A_248 = vector.broadcast %jit3A_246 : f32 to vector<16xf32>
        %select_n3A_249 = arith.select %gt3A_50, %broadcast_in_dim3A_247, %broadcast_in_dim3A_248 : vector<16xi1>, vector<16xf32>
        %add3A_250 = arith.addf %select_n3A_244, %select_n3A_249 : vector<16xf32>
        %reduce_max3A_251 = arith.constant true
        %reduce_max3A_252 = vector.broadcast %reduce_max3A_251 : i1 to vector<16xi1>
        %reduce_max3A_253 = tpu.scan <max>, %add3A_250 masked %reduce_max3A_252 : vector<16xf32>, vector<16xi1> -> vector<16xf32>
        %reduce_max3A_254 = vector.extract %reduce_max3A_253[15] : f32 from vector<16xf32>
        %convert_element_type3A_255 = arith.fptosi %reduce_max3A_254 : f32 to i32
        %and3A_256 = arith.constant 1 : i32
        %and3A_257 = arith.andi %convert_element_type3A_255, %and3A_256 : i32
        %add3A_258 = arith.addi %while3A_41, %and3A_257 : i32
        %jit3A_259 = arith.constant 2 : i32
        %div3A_260 = arith.divsi %convert_element_type3A_255, %jit3A_259 : i32
        %sign3A_261 = arith.constant 0 : i32
        %sign3A_262 = arith.cmpi sgt, %convert_element_type3A_255, %sign3A_261 : i32
        %sign3A_263 = arith.extui %sign3A_262 : i1 to i32
        %sign3A_264 = arith.constant 0 : i32
        %sign3A_265 = arith.cmpi slt, %convert_element_type3A_255, %sign3A_264 : i32
        %sign3A_266 = arith.extui %sign3A_265 : i1 to i32
        %sign3A_267 = arith.subi %sign3A_263, %sign3A_266 : i32
        %sign3A_268 = arith.constant 0 : i32
        %sign3A_269 = arith.cmpi sgt, %jit3A_259, %sign3A_268 : i32
        %sign3A_270 = arith.extui %sign3A_269 : i1 to i32
        %sign3A_271 = arith.constant 0 : i32
        %sign3A_272 = arith.cmpi slt, %jit3A_259, %sign3A_271 : i32
        %sign3A_273 = arith.extui %sign3A_272 : i1 to i32
        %sign3A_274 = arith.subi %sign3A_270, %sign3A_273 : i32
        %ne3A_275 = arith.cmpi ne, %sign3A_267, %sign3A_274 : i32
        %rem3A_276 = arith.remsi %convert_element_type3A_255, %jit3A_259 : i32
        %ne3A_277 = arith.constant 0 : i32
        %ne3A_278 = arith.cmpi ne, %rem3A_276, %ne3A_277 : i32
        %and3A_279 = arith.andi %ne3A_275, %ne3A_278 : i1
        %sub3A_280 = arith.constant 1 : i32
        %sub3A_281 = arith.subi %div3A_260, %sub3A_280 : i32
        %select_n3A_282 = arith.select %and3A_279, %sub3A_281, %div3A_260 : i32
        scf.yield %add3A_258, %select_n3A_282 : i32, i32
      }
      "tpu.region"() ({
        %run_scoped3A = tpu.sem_alloc : memref<!tpu.dma_semaphore, #tpu.memory_space<semaphore_mem>>
        %dma_start3A = arith.constant 0 : i32
        %dma_start3A_41 = tpu.memref_slice %arg44[%dma_start3A] : memref<1280xf32, #tpu.memory_space<vmem>> -> memref<1200xf32, #tpu.memory_space<vmem>>
        %dma_start3A_42 = arith.constant 0 : i32
        %dma_start3A_43 = tpu.memref_slice %arg44[%dma_start3A_42] : memref<1280xf32, #tpu.memory_space<vmem>> -> memref<1200xf32, #tpu.memory_space<vmem>>
        tpu.enqueue_dma source(%dma_start3A_43 : memref<1200xf32, #tpu.memory_space<vmem>>) target(%arg12 : memref<1200xf32, #tpu.memory_space<hbm>>) target_semaphore(%run_scoped3A : memref<!tpu.dma_semaphore, #tpu.memory_space<semaphore_mem>>)
        %dma_wait3A = arith.constant 0 : i32
        %dma_wait3A_44 = tpu.memref_slice %arg44[%dma_wait3A] : memref<1280xf32, #tpu.memory_space<vmem>> -> memref<1200xf32, #tpu.memory_space<vmem>>
        %dma_wait3A_45 = arith.constant 0 : i32
        %dma_wait3A_46 = tpu.memref_slice %arg44[%dma_wait3A_45] : memref<1280xf32, #tpu.memory_space<vmem>> -> memref<1200xf32, #tpu.memory_space<vmem>>
        tpu.wait_dma2 semaphore(%run_scoped3A : memref<!tpu.dma_semaphore, #tpu.memory_space<semaphore_mem>>) src(%dma_wait3A_46 : memref<1200xf32, #tpu.memory_space<vmem>>) dst(%arg12 : memref<1200xf32, #tpu.memory_space<hbm>>)
        tpu.yield
      }) : () -> ()
    } else {
    }
    return
  }
}

</mosaic_0001>

<sc_bundles>
// kernel: kernel.3.cloned.1.call-start
scs
__scs_entry_jumppad:
0x0: {  	(pc) =	sbr.rel $0x88, $3  }
0x1: {  	(tag) =	ssettag $0x0;
	lr =	simm.s32 $0x1  }
0x2: {  	[smem:$0x3F9D] =	sst lr;
	_ =	strace $0xD0000000  }
0x3: {  	_ = 	snop  }
0x4: {  	_ = 	snop  }
0x5: {  	_ = 	snop  }
0x6: {  	_ = 	snop  }
0x7: {  	_ = 	snop  }
__scs_overlays_trampoline_lowered:
0x8: {  	[smem:$0x3FAC] =	sst s0  }
0x9: {  	[smem:$0x3FAD] =	sst s1  }
0xa: {  	[smem:$0x3FAE] =	sst s2  }
0xb: {  	[smem:$0x3FAF] =	sst s3  }
0xc: {  	[smem:$0x3FB0] =	sst s4  }
0xd: {  	[smem:$0x3FB1] =	sst s5  }
0xe: {  	[smem:$0x3FB2] =	sst s6  }
0xf: {  	[smem:$0x3FB3] =	sst s7  }
0x10: {  	[smem:$0x3FB4] =	sst s8  }
0x11: {  	[smem:$0x3FB5] =	sst s9;
	s0 =	simm.s32 @!p0 $0x0  }
0x12: {  	s1 =	sld [smem:$0x3F9B];
	s0 =	simm.s32 @p0 $0x1  }
0x13: {  	[smem:$0x3FB6] =	sst s0;
	s0 =	simm.s32 @!p1 $0x0  }
0x14: {  	s2 =	sld [smem:$0x3F9A];
	s0 =	simm.s32 @p1 $0x1  }
0x15: {  	[smem:$0x3FB7] =	sst s0;
	s0 =	simm.s32 @!p2 $0x0  }
0x16: {  	s3 =	sld [smem:$0x3FDB];
	s0 =	simm.s32 @p2 $0x1  }
0x17: {  	s4 =	simm.s32 $0x1BF5;
	[smem:$0x3FB9] =	sst s0  }
0x18: {  	s0 =	sld [smem:$0x3F9C];
	_ =	swait.ge [sflag:s4], $0x0  }
0x19: {  	s7 =	sld [smem:$0x3F9D]  }
0x1a: {  	s8 =	sadd.s32 $0xFFFFE003, lr  }
0x1b: {  	s9 =	sadd.s32 $0xFFFFFEF7, lr;
	s5 =	simm.s32 $0xFFFFFFFF;
	p2 =	slt.u32 s8, $0xFFFFF086  }
0x1c: {  	p1 =	slt.u32 s9, $0xF7A;
	s5 =	simm.s32 @!p2 $0x0  }
0x1d: {  	s5 =	simm.s32 @p1 $0x1;
	p0 =	seq.s32 s7, s2  }
0x1e: {  	s7 =	smul.u32 @!p0 $0xF7A, s2;
	p2 =	seq.s32 @!p0 s5, $0x0  }
0x1f: {  	s9 =	smul.u32 $0xF7A, s1;
	s8 =	simm.s32 @!p0 $0x1BF5;
	p2 =	por !p2, p0  }
0x20: {  	[sflag:s8] =	ssyncset.s32 @!p0 $0xFFFFF086;
	s6 =	sadd.s32 @!p0 s3, s7;
	s7 =	simm.s32 @!p0 $0x108  }
0x21: {  	s3 =	sadd.s32 s3, s9;
	s6 =	sadd.s32 @!p0 $0x88, s6;
	s7 =	simm.s32 @p2 $0x1082  }
0x22: {  	[simem:s7], [sflag:s8] =	dma.local @!p0 [hbm:s6], $0xF7A  }
0x23: {  	s9 =	sor.u32 $0xD0000000, s2;
	s6 =	simm.s32 $0x108;
	_ =	swait.ge @!p0 [sflag:s8], $0x0  }
0x24: {  	s3 =	sadd.s32 $0x88, s3;
	s6 =	simm.s32 @!p1 $0x1082;
	[sflag:s4] =	ssyncset.s32 $0xFFFFF086  }
0x25: {  	[simem:s6], [sflag:s4] =	dma.local [hbm:s3], $0xF7A  }
0x26: {  	[smem:$0x3F9D] =	sst s1;
	(tag) =	ssettag s2;
	_ =	strace s9  }
0x27: {  	s1 =	sld [smem:$0x3FAD]  }
0x28: {  	s2 =	sld [smem:$0x3FAE]  }
0x29: {  	s4 =	sld [smem:$0x3FB0]  }
0x2a: {  	p0 =	seq.s32 s5, $0x0;
	s5 =	sld [smem:$0x3FB1]  }
0x2b: {  	s6 =	sld [smem:$0x3FB2]  }
0x2c: {  	s7 =	sld [smem:$0x3FB3]  }
0x2d: {  	s3 =	simm.s32 $0x108;
	s8 =	sld [smem:$0x3FB4]  }
0x2e: {  	s3 =	simm.s32 @!p0 $0x1082;
	s9 =	sld [smem:$0x3FB5]  }
0x2f: {  	lr =	sadd.s32 s0, s3;
	s0 =	sld [smem:$0x3FAC]  }
0x30: {  	s3 =	sld [smem:$0x3FAF]  }
0x31: {  	[smem:$0x3FB8] =	sst s10  }
0x32: {  	s10 =	sld [smem:$0x3FB6];
	_ =	sdelay $0x3  }
0x33: {  	p0 =	seq.s32 s10, $0x1;
	s10 =	sld [smem:$0x3FB8];
	_ =	sdelay $0x3  }
0x34: {  	[smem:$0x3FB8] =	sst s10  }
0x35: {  	s10 =	sld [smem:$0x3FB7];
	_ =	sdelay $0x3  }
0x36: {  	p1 =	seq.s32 s10, $0x1;
	s10 =	sld [smem:$0x3FB8];
	_ =	sdelay $0x3  }
0x37: {  	[smem:$0x3FB8] =	sst s10  }
0x38: {  	s10 =	sld [smem:$0x3FB9]  }
0x39: {  	_ = 	snop;
	(pc) =	sbr.ind lr, $3  }
0x3a: {  	_ = 	snop  }
0x3b: {  	_ = 	snop  }
0x3c: {  	p2 =	seq.s32 s10, $0x1;
	s10 =	sld [smem:$0x3FB8]  }
0x3d: {  	_ =	shalt  }
0x3e: {  	_ =	shalt  }
0x3f: {  	_ =	shalt  }
0x40: {  	_ =	shalt  }
0x41: {  	_ =	shalt  }
0x42: {  	_ =	shalt  }
0x43: {  	_ =	shalt  }
0x44: {  	_ =	shalt  }
0x45: {  	_ =	shalt  }
0x46: {  	_ =	shalt  }
0x47: {  	_ =	shalt  }
0x48: {  	_ =	shalt  }
0x49: {  	_ =	shalt  }
0x4a: {  	_ =	shalt  }
0x4b: {  	_ =	shalt  }
0x4c: {  	_ =	shalt  }
0x4d: {  	_ =	shalt  }
0x4e: {  	_ =	shalt  }
0x4f: {  	_ =	shalt  }
0x50: {  	_ =	shalt  }
0x51: {  	_ =	shalt  }
0x52: {  	_ =	shalt  }
0x53: {  	_ =	shalt  }
0x54: {  	_ =	shalt  }
0x55: {  	_ =	shalt  }
0x56: {  	_ =	shalt  }
0x57: {  	_ =	shalt  }
0x58: {  	_ =	shalt  }
0x59: {  	_ =	shalt  }
0x5a: {  	_ =	shalt  }
0x5b: {  	_ =	shalt  }
0x5c: {  	_ =	shalt  }
0x5d: {  	_ =	shalt  }
0x5e: {  	_ =	shalt  }
0x5f: {  	_ =	shalt  }
0x60: {  	_ =	shalt  }
0x61: {  	_ =	shalt  }
0x62: {  	_ =	shalt  }
0x63: {  	_ =	shalt  }
0x64: {  	_ =	shalt  }
0x65: {  	_ =	shalt  }
0x66: {  	_ =	shalt  }
0x67: {  	_ =	shalt  }
0x68: {  	_ =	shalt  }
0x69: {  	_ =	shalt  }
0x6a: {  	_ =	shalt  }
0x6b: {  	_ =	shalt  }
0x6c: {  	_ =	shalt  }
0x6d: {  	_ =	shalt  }
0x6e: {  	_ =	shalt  }
0x6f: {  	_ =	shalt  }
0x70: {  	_ =	shalt  }
0x71: {  	_ =	shalt  }
0x72: {  	_ =	shalt  }
0x73: {  	_ =	shalt  }
0x74: {  	_ =	shalt  }
0x75: {  	_ =	shalt  }
0x76: {  	_ =	shalt  }
0x77: {  	_ =	shalt  }
0x78: {  	_ =	shalt  }
0x79: {  	_ =	shalt  }
0x7a: {  	_ =	shalt  }
0x7b: {  	_ =	shalt  }
0x7c: {  	_ =	shalt  }
0x7d: {  	_ =	shalt  }
0x7e: {  	_ =	shalt  }
0x7f: {  	_ =	shalt  }
0x80: {  	_ =	shalt  }
0x81: {  	_ =	shalt  }
0x82: {  	_ =	shalt  }
0x83: {  	_ =	shalt  }
0x84: {  	_ =	shalt  }
0x85: {  	_ =	shalt  }
0x86: {  	_ =	shalt  }
0x87: {  	_ =	shalt  }
.Lfunc_end0:
.L_simem_size_0:
called_computation_lowered:
.L_overlay_start_0:
0x88: {  	s2 =	sld [smem:$0x3FD9]  }
0x89: {  	s3 =	sld [smem:$0x3FFE];
	_ =	sdelay $0x1  }
0x8a: {  	s1 =	srdreg.scid  }
0x8b: {  	s0 =	sand.u32 $0x1, s1  }
0x8c: {  	s17 =	sshll.u32 s0, $0xA;
	s2 =	sadd.s32 s3, s2  }
0x8d: {  	s2 =	sadd.s32 s2, s17  }
0x8e: {  	[smem:$0x3FC4] =	sst s2  }
0x8f: {  	_ = 	snop  }
0x90: {  	s2 =	sld [smem:$0x3FD0];
	(tm) =	ssettm $0x1  }
0x91: {  	s18 =	sld [smem:$0x3FFB];
	_ =	sdelay $0x3  }
0x92: {  	_ =	strace s18  }
0x93: {  	s3 =	sld [smem:$0x3FFC];
	_ =	sdelay $0x3  }
0x94: {  	_ =	strace s3  }
0x95: {  	s3 =	sld [smem:$0x3FFD];
	_ =	sdelay $0x3  }
0x96: {  	_ =	strace s3  }
0x97: {  	_ =	strace $0x8FFFFFFF  }
0x98: {  	s19 =	sld [smem:$0x3FDB];
	_ =	sdelay $0x1  }
0x99: {  	s4 =	simm.s32 $_scs_section_size  }
0x9a: {  	s5 =	simm.s32 $_size__tile_overlayer_lowered;
	s6 =	simm.s32 $_tile_overlayer_lowered  }
0x9b: {  	s22 =	simm.s32 $0x1BFF;
	s21 =	sshll.u32 s6, $0x1;
	s3 =	sadd.s32 s4, s19  }
0x9c: {  	s7 =	simm.s32 $0x0;
	s20 =	sshll.u32 s5, $0x1;
	s5 =	sadd.s32 s21, s3  }
0x9d: {  	[timem:s7], [sflag:s22] =	dma.local [hbm:s5], s20  }
0x9e: {  	_ =	swait.ge [sflag:s22], s20  }
0x9f: {  	s4 =	ssub.s32 $0x0, s20;
	[sflag:s22] =	ssyncset.done $0x0  }
0xa0: {  	[sflag:s22] =	ssyncadd.s32 s4;
	_ =	sdelay $0x1  }
0xa1: {  	s23 =	simm.s32 $0x1B8B  }
0xa2: {  	_ =	swait.ge [sflag:s23], $0x1  }
0xa3: {  	[sflag:s23] =	ssyncset.done $0x0  }
0xa4: {  	s25 =	simm.s32 $0x1B8E;
	s24 =	sld [smem:$0x3FFE];
	[sflag:s23] =	ssyncadd.s32 $0xFFFFFFFF  }
0xa5: {  	s26 =	simm.s32 $execute0_lowered;
	[smem:$0x3FD2] =	sst s25  }
0xa6: {  	s5 =	sshll.u32 s26, $0x1;
	_ =	strace $0x80000046;
	[dreg:$0x1] =	wrdreg $0xFFFFFFFF  }
0xa7: {  	s28 =	simm.s32 $_size_execute0_lowered;
	s3 =	sadd.s32 s3, s5;
	[dreg:$0x0] =	wrdreg $0x0  }
0xa8: {  	s5 =	sshll.u32 s28, $0x1;
	[dreg:$0x2] =	wrdreg s3  }
0xa9: {  	[dreg:$0x3] =	wrdreg s5  }
0xaa: {  	[dreg:$0x4] =	wrdreg $0xC0  }
0xab: {  	_ =	task [dreg:s7], $0x5FFFF  }
0xac: {  	[dreg:$0x1] =	wrdreg $0xFFFFFFFF  }
0xad: {  	[dreg:$0x0] =	wrdreg $0x60  }
0xae: {  	[dreg:$0x2] =	wrdreg s24  }
0xaf: {  	[dreg:$0x3] =	wrdreg s2  }
0xb0: {  	[dreg:$0x4] =	wrdreg $0x41800  }
0xb1: {  	[dreg:$0x5] =	wrdreg $0x46800  }
0xb2: {  	[dreg:$0x6] =	wrdreg $0x4B800  }
0xb3: {  	[dreg:$0x7] =	wrdreg $0x50800  }
0xb4: {  	[dreg:$0x8] =	wrdreg $0x55800  }
0xb5: {  	[dreg:$0x9] =	wrdreg $0x9  }
0xb6: {  	_ =	task.clear_ibuf [dreg:s7], $0xAFFFF;
	_ =	strace $0x90000046  }
0xb7: {  	s29 =	simm.s32 $0x9;
	_ =	strace $0x80000048  }
0xb8: {  	_ =	swait.ge [sflag:s29], $0x1  }
0xb9: {  	[sflag:s29] =	ssyncadd.s32 $0xFFFFFFFF  }
0xba: {  	_ =	strace $0x90000048  }
0xbb: {  	_ =	sfence  }
0xbc: {  	s30 =	sld [smem:$0x0];
	_ =	sdelay $0x2  }
0xbd: {  	s31 =	sshll.u32 s1, $0xD;
	s1 =	sshrl.u32 s1, $0x2  }
0xbe: {  	s3 =	sand.u32 $0x4000, s31;
	s1 =	sadd.s32 s1, s30  }
0xbf: {  	s0 =	sor.u32 s3, s0;
	s1 =	sshll.u32 s1, $0x11  }
0xc0: {  	s0 =	sor.u32 s1, s0  }
0xc1: {  	s0 =	sadd.s32 $0x8F2B, s0  }
0xc2: {  	[sflag:s0] =	ssyncadd.remote.s32 $0x1  }
0xc3: {  	_ =	sfence.sel $0xFFFF  }
0xc4: {  	[dreg:$0x0] =	wrdreg $0xFFFFFFFF;
	(pc) =	sbr.abs _section_cstart, $3  }
0xc5: {  	[dreg:$0x1] =	wrdreg $0xFFFFFFFF  }
0xc6: {  	_ =	task.clear_ibuf [dreg:s7], $0x2FFFF;
	_ =	strace $0x9FFFFFFF  }
0xc7: {  	(tm) =	ssettm $0x7FFFFFFF  }
tec
execute0_lowered:
.L_overlay_start_1:
0x0: {  	(tag) =	ssettag $0x1  }
0x1: {  	v0 =	vlaneseq.u32;
	v1 =	vimm.f32 $0.0e+00;
	v3 =	vimm.f32 $-9.999999850e+30  }
0x2: {  	v4 =	vimm.f32 $7.500000000e+01;
	vm14 =	vcmask $0x300;
	vm13 =	vcmask $0x704  }
0x3: {  	v5 =	vimm.f32 $7.600000000e+01;
	vm12 =	vcmask $0xB08;
	vm10 =	vcmask $0xF0C  }
0x4: {  	vm11 =	vcmask $0x1310;
	vm9 =	vcmask $0x1714;
	vm8 =	vcmask $0x1B18  }
0x5: {  	vm7 =	vcmask $0x1F1C;
	vm6 =	vcmask $0x2320;
	vm5 =	vcmask $0x2724  }
0x6: {  	vm4 =	vcmask $0x2B28;
	vm3 =	vcmask $0x2F2C;
	vm1 =	vcmask $0x3330  }
0x7: {  	vm0 =	vcmask $0x3734;
	vm2 =	vcmask $0x3B38;
	v7 =	vimm.f32 $7.700000000e+01  }
0x8: {  	v9 =	vimm.f32 $7.800000000e+01;
	v10 =	vimm.f32 $7.900000000e+01;
	v13 =	vimm.s32 $0x0  }
0x9: {  	s0 =	rddreg [dreg:$0x0];
	v2 =	vmul.u32 $0x5, v0;
	v4 =	vsel vm14, $0x0, v4;
	v5 =	vsel vm14, $0x3F800000, v5  }
0xa: {  	s6 =	rddreg [dreg:$0x2];
	v8 =	vsel vm14, $0x40000000, v7;
	v9 =	vsel vm14, $0x40400000, v9;
	v10 =	vsel vm14, $0x40800000, v10  }
0xb: {  	s7 =	rddreg [dreg:$0x3];
	v4 =	vsel vm13, $0x40A00000, v4;
	v5 =	vsel vm13, $0x40C00000, v5;
	v8 =	vsel vm13, $0x40E00000, v8  }
0xc: {  	s8 =	rddreg [dreg:$0x4];
	v9 =	vsel vm13, $0x41000000, v9;
	v10 =	vsel vm13, $0x41100000, v10;
	v4 =	vsel vm12, $0x41200000, v4  }
0xd: {  	s10 =	rddreg [dreg:$0x5];
	v5 =	vsel vm12, $0x41300000, v5;
	v7 =	vadd.s32 $0x2, v2;
	v8 =	vsel vm12, $0x41400000, v8  }
0xe: {  	s12 =	rddreg [dreg:$0x6];
	s1 =	simm.s32 $0x0;
	v9 =	vsel vm12, $0x41500000, v9;
	v10 =	vsel vm12, $0x41600000, v10;
	v4 =	vsel vm10, $0x41700000, v4  }
0xf: {  	s13 =	stileid.u32;
	s24 =	srdreg.scid;
	s29 =	simm.s32 $0xA590;
	v5 =	vsel vm10, $0x41800000, v5;
	v8 =	vsel vm10, $0x41880000, v8;
	v9 =	vsel vm10, $0x41900000, v9  }
0x10: {  	s30 =	simm.s32 $0xF590;
	s31 =	simm.s32 $0x14590;
	s28 =	simm.s32 $0x1E690;
	v10 =	vsel vm10, $0x41980000, v10;
	v4 =	vsel vm11, $0x41A00000, v4;
	v5 =	vsel vm11, $0x41A80000, v5  }
0x11: {  	[smem:$0x7FF] =	sst s1;
	s2 =	smul.u32 $0x500, s13;
	s1 =	sand.u32 $0x1, s24;
	v8 =	vsel vm11, $0x41B00000, v8;
	v9 =	vsel vm11, $0x41B80000, v9;
	v10 =	vsel vm11, $0x41C00000, v10  }
0x12: {  	s9 =	sadd.s32 $0x5000, s0;
	s5 =	sadd.s32 $0x5A00, s0;
	s23 =	sshll.u32 s13, $0x4;
	v4 =	vsel vm9, $0x41C80000, v4;
	v5 =	vsel vm9, $0x41D00000, v5;
	v8 =	vsel vm9, $0x41D80000, v8  }
0x13: {  	_ =	strace $0x80000047;
	s3 =	ssub.s32 $0x2, s1;
	[dreg:$0x8] =	wrdreg s5;
	v9 =	vsel vm9, $0x41E00000, v9;
	v10 =	vsel vm9, $0x41E80000, v10;
	v4 =	vsel vm8, $0x41F00000, v4  }
0x14: {  	s26 =	sor.u32 s13, s1;
	p1 =	sne.s32 s1, $0x0;
	s5 =	simm.s32 $0x19590;
	v5 =	vsel vm8, $0x41F80000, v5;
	v8 =	vsel vm8, $0x42000000, v8;
	v9 =	vsel vm8, $0x42040000, v9  }
0x15: {  	s13 =	simm.s32 $0x1EA10;
	s4 =	sshrl.u32 s2, $0x3;
	s25 =	sshrl.u32 s3, $0x1;
	v10 =	vsel vm8, $0x42080000, v10;
	v4 =	vsel vm7, $0x420C0000, v4;
	v5 =	vsel vm7, $0x42100000, v5  }
0x16: {  	s21 =	sadd.s32 s2, s6;
	s22 =	sadd.s32 s2, s7;
	p0 =	sne.s32 s26, $0x0;
	v8 =	vsel vm7, $0x42140000, v8;
	v9 =	vsel vm7, $0x42180000, v9;
	v10 =	vsel vm7, $0x421C0000, v10  }
0x17: {  	s24 =	sadd.s32 s2, s8;
	s26 =	sadd.s32 s23, s12;
	[dreg:$0x11] =	wrdreg s21;
	v4 =	vsel vm6, $0x42200000, v4;
	v5 =	vsel vm6, $0x42240000, v5;
	v8 =	vsel vm6, $0x42280000, v8  }
0x18: {  	s8 =	simm.s32 $0x1E590;
	s6 =	simm.s32 $0x5;
	[dreg:$0x12] =	wrdreg s22;
	v9 =	vsel vm6, $0x422C0000, v9;
	v10 =	vsel vm6, $0x42300000, v10;
	v4 =	vsel vm5, $0x42340000, v4  }
0x19: {  	s7 =	simm.s32 $0x1;
	s12 =	simm.s32 $0x1E890;
	[dreg:$0x13] =	wrdreg s24;
	v5 =	vsel vm5, $0x42380000, v5;
	v8 =	vsel vm5, $0x423C0000, v8;
	v9 =	vsel vm5, $0x42400000, v9  }
0x1a: {  	s11 =	sadd.s32 s0, s4;
	s4 =	sadd.s32 s9, s4;
	[dreg:$0x15] =	wrdreg s26;
	v10 =	vsel vm5, $0x42440000, v10;
	v4 =	vsel vm4, $0x42480000, v4;
	v5 =	vsel vm4, $0x424C0000, v5  }
0x1b: {  	s0 =	ssub.s32 s3, s25;
	s25 =	sadd.s32 s2, s10;
	[dreg:$0x10] =	wrdreg s4;
	v8 =	vsel vm4, $0x42500000, v8;
	v9 =	vsel vm4, $0x42540000, v9;
	v10 =	vsel vm4, $0x42580000, v10  }
0x1c: {  	s26 =	simm.s32 $0x7;
	s14 =	sadd.s32 $0xA00, s11;
	[dreg:$0x14] =	wrdreg s25;
	v4 =	vsel vm3, $0x425C0000, v4;
	v5 =	vsel vm3, $0x42600000, v5;
	v8 =	vsel vm3, $0x42640000, v8  }
0x1d: {  	s2 =	simm.s32 $0x2;
	s15 =	sadd.s32 $0x1400, s11;
	[dreg:$0x9] =	wrdreg s14;
	v9 =	vsel vm3, $0x42680000, v9;
	v10 =	vsel vm3, $0x426C0000, v10;
	vm3 =	vmmov $0xf  }
0x1e: {  	s3 =	simm.s32 $0x3;
	s16 =	sadd.s32 $0x1E00, s11;
	[dreg:$0xa] =	wrdreg s15;
	v4 =	vsel vm1, $0x42700000, v4;
	v5 =	vsel vm1, $0x42740000, v5;
	v8 =	vsel vm1, $0x42780000, v8  }
0x1f: {  	s10 =	simm.s32 $0x1E710;
	s17 =	sadd.s32 $0x2800, s11;
	[dreg:$0xb] =	wrdreg s16;
	v11 =	vsel vm1, $0x427C0000, v9;
	v9 =	vadd.s32 $0x3, v2;
	v12 =	vsel vm1, $0x42800000, v10  }
.Ltmp0:
0x20: {  	s18 =	sadd.s32 $0x3200, s11;
	[dreg:$0xc] =	wrdreg s17;
	vm1 =	vcmask $0x3F0C;
	v4 =	vsel vm0, $0x42820000, v4;
	v6 =	vsel vm0, $0x42840000, v5;
	(pc) =	sbr.rel .LBB2_1-.Ltmp0, $4  }
0x21: {  	s19 =	sadd.s32 $0x3C00, s11;
	s20 =	sadd.s32 $0x4600, s11;
	[dreg:$0xd] =	wrdreg s18;
	v5 =	vadd.s32 $0x1, v2;
	v8 =	vsel vm0, $0x42860000, v8;
	v11 =	vsel vm0, $0x42880000, v11  }
0x22: {  	s25 =	smax.u32 s0, $0x1;
	s4 =	simm.s32 $0x4;
	[dreg:$0xe] =	wrdreg s19;
	v12 =	vsel vm0, $0x428A0000, v12;
	vm0 =	vmmov $0x1;
	v4 =	vsel vm2, $0x428C0000, v4  }
0x23: {  	s0 =	simm.s32 $0x5590;
	[dreg:$0xf] =	wrdreg s20;
	s14 =	simm.s32 $0x1EB90;
	v6 =	vsel vm2, $0x428E0000, v6;
	v8 =	vsel vm2, $0x42900000, v8;
	v10 =	vsel vm2, $0x42920000, v11  }
0x24: {  	s15 =	simm.s32 $0x1ED10;
	s16 =	simm.s32 $0x1EE90;
	s17 =	simm.s32 $0x0;
	v11 =	vadd.s32 $0x4, v2;
	v12 =	vsel vm2, $0x42940000, v12;
	vm2 =	vcmask $0x3F08  }
.LBB2_27:
0x25: {  	s1 =	simm.s32 $0x0;
	s18 =	rddreg [dreg:$0x8]  }
0x26: {  	[hbm4b:s18+s1] =	stream.linear.scatter [tilespmem:s16], [sflag:$0x7], $0x4B0, $0x38;
	[tilespmem:$0x1F410] =	vst v63  }
0x27: {  	_ =	swait.ge [sflag:s26], $0x4B0  }
0x28: {  	[sflag:s26] =	ssyncset.done $0x0  }
0x29: {  	[sflag:s26] =	ssyncadd.s32 $0xFFFFFB50  }
.LBB2_28:
0x2a: {  	s17 =	sadd.s32 $0x1, s17  }
0x2b: {  	p2 =	sne.s32 s17, s25  }
.Ltmp1:
0x2c: {  	_ = 	snop;
	(pc) =	sbr.rel @!p2 .LBB2_29-.Ltmp1, $1  }
0x2d: {  	_ =	sdelay $0x3  }
.LBB2_1:
.Ltmp2:
0x2e: {  	(pc) =	sbr.rel @p1 .LBB2_7-.Ltmp2, $3  }
0x2f: {  	_ =	sdelay $0x1  }
0x30: {  	s1 =	simm.s32 @!p0 $0x0;
	s18 =	simm.s32 @!p0 $0x5590  }
0x31: {  	[tilespmem:s18], [sflag:$0x1] =	stream.linear.gather @!p0 [hbm4b:s9+s1], $0x5000, $0x38;
	[tilespmem:$0x1F410] =	vst v63  }
0x32: {  	s18 =	simm.s32 $0x0  }
0x33: {  	[tilespmem:s18], [sflag:$0x7] =	stream.linear.gather [hbm4b:s11+s18], $0x500, $0x38;
	[tilespmem:$0x1F410] =	vst v63  }
0x34: {  	_ =	swait.ge [sflag:s26], $0x500  }
0x35: {  	[sflag:s26] =	ssyncset.done $0x0  }
0x36: {  	s19 =	simm.s32 $0x500;
	s1 =	rddreg [dreg:$0x9];
	[sflag:s26] =	ssyncadd.s32 $0xFFFFFB00  }
0x37: {  	[tilespmem:s19], [sflag:$0x7] =	stream.linear.gather [hbm4b:s1+s18], $0x500, $0x38;
	[tilespmem:$0x1F410] =	vst v63  }
0x38: {  	_ =	swait.ge [sflag:s26], $0x500  }
0x39: {  	[sflag:s26] =	ssyncset.done $0x0  }
0x3a: {  	s22 =	simm.s32 $0xA00;
	s21 =	rddreg [dreg:$0xa];
	[sflag:s26] =	ssyncadd.s32 $0xFFFFFB00  }
0x3b: {  	[tilespmem:s22], [sflag:$0x7] =	stream.linear.gather [hbm4b:s21+s18], $0x500, $0x38;
	[tilespmem:$0x1F410] =	vst v63  }
0x3c: {  	_ =	swait.ge [sflag:s26], $0x500  }
0x3d: {  	[sflag:s26] =	ssyncset.done $0x0  }
0x3e: {  	s24 =	simm.s32 $0xF00;
	s23 =	rddreg [dreg:$0xb];
	[sflag:s26] =	ssyncadd.s32 $0xFFFFFB00  }
0x3f: {  	[tilespmem:s24], [sflag:$0x7] =	stream.linear.gather [hbm4b:s23+s18], $0x500, $0x38;
	[tilespmem:$0x1F410] =	vst v63  }
0x40: {  	_ =	swait.ge [sflag:s26], $0x500  }
0x41: {  	[sflag:s26] =	ssyncset.done $0x0  }
0x42: {  	s20 =	simm.s32 $0x1400;
	s19 =	rddreg [dreg:$0xc];
	[sflag:s26] =	ssyncadd.s32 $0xFFFFFB00  }
0x43: {  	[tilespmem:s20], [sflag:$0x7] =	stream.linear.gather [hbm4b:s19+s18], $0x500, $0x38;
	[tilespmem:$0x1F410] =	vst v63  }
0x44: {  	_ =	swait.ge [sflag:s26], $0x500  }
0x45: {  	[sflag:s26] =	ssyncset.done $0x0  }
0x46: {  	s22 =	simm.s32 $0x1900;
	s21 =	rddreg [dreg:$0xd];
	[sflag:s26] =	ssyncadd.s32 $0xFFFFFB00  }
0x47: {  	[tilespmem:s22], [sflag:$0x7] =	stream.linear.gather [hbm4b:s21+s18], $0x500, $0x38;
	[tilespmem:$0x1F410] =	vst v63  }
0x48: {  	_ =	swait.ge [sflag:s26], $0x500  }
0x49: {  	[sflag:s26] =	ssyncset.done $0x0  }
0x4a: {  	s24 =	simm.s32 $0x1E00;
	s23 =	rddreg [dreg:$0xe];
	[sflag:s26] =	ssyncadd.s32 $0xFFFFFB00  }
0x4b: {  	[tilespmem:s24], [sflag:$0x7] =	stream.linear.gather [hbm4b:s23+s18], $0x500, $0x38;
	[tilespmem:$0x1F410] =	vst v63  }
0x4c: {  	_ =	swait.ge [sflag:s26], $0x500  }
0x4d: {  	[sflag:s26] =	ssyncset.done $0x0  }
0x4e: {  	s20 =	simm.s32 $0x2300;
	s19 =	rddreg [dreg:$0xf];
	[sflag:s26] =	ssyncadd.s32 $0xFFFFFB00  }
0x4f: {  	[tilespmem:s20], [sflag:$0x7] =	stream.linear.gather [hbm4b:s19+s18], $0x500, $0x38;
	[tilespmem:$0x1F410] =	vst v63  }
0x50: {  	_ =	swait.ge [sflag:s26], $0x500  }
0x51: {  	[sflag:s26] =	ssyncset.done $0x0  }
0x52: {  	s22 =	simm.s32 $0x3C00;
	s21 =	rddreg [dreg:$0x10];
	[sflag:s26] =	ssyncadd.s32 $0xFFFFFB00  }
0x53: {  	[tilespmem:s22], [sflag:$0x7] =	stream.linear.gather [hbm4b:s21+s18], $0x500, $0x38;
	[tilespmem:$0x1F410] =	vst v63  }
0x54: {  	_ =	swait.ge [sflag:s26], $0x500  }
0x55: {  	[sflag:s26] =	ssyncset.done $0x0  }
0x56: {  	[sflag:s26] =	ssyncadd.s32 $0xFFFFFB00  }
0x57: {  	s24 =	simm.s32 $0x1F390;
	s23 =	rddreg [dreg:$0x1]  }
0x58: {  	[tilespmem:s24], [sflag:$0x7] =	stream.linear.gather [hbm4b:s23+s18], $0x80, $0x38;
	[tilespmem:$0x1F410] =	vst v63  }
0x59: {  	_ =	swait.ge [sflag:s26], $0x80  }
0x5a: {  	[sflag:s26] =	ssyncset.done $0x0  }
0x5b: {  	s21 =	simm.s32 $0x0;
	[sflag:s26] =	ssyncadd.s32 $0xFFFFFF80  }
0x5c: {  	v14 =	vld [tilespmem:s21+$0x2300];
	_ =	sdelay $0x2  }
0x5d: {  	v15 =	vld [tilespmem:s21+$0x1E00]  }
0x5e: {  	v16 =	vld [tilespmem:s21+$0x0]  }
0x5f: {  	v17 =	vld [tilespmem:s21+$0xA00];
	v14 =	vmul.f32 $1.442695020e+00, v14  }
0x60: {  	v18 =	vld [tilespmem:s21+$0x500]  }
0x61: {  	v19 =	vld [tilespmem:s21+$0x1400];
	(erf) = vpow2.f32 v14  }
0x62: {  	s19 =	simm.s32 $0x10;
	v15 =	vmul.f32 $1.442695020e+00, v15;
	v14 =	vld [tilespmem:s21+$0xF00]  }
0x63: {  	v20 =	vld [tilespmem:s19+$0x2300]  }
0x64: {  	v21 =	vld [tilespmem:s19+$0x1E00];
	(erf) = vpow2.f32 v15  }
0x65: {  	v15 =	vld [tilespmem:s21+$0x1900]  }
0x66: {  	v22 =	vld [tilespmem:s19+$0x0]  }
0x67: {  	v24 =	vsub.f32 v17, v16;
	v17 =	vld [tilespmem:s19+$0xA00];
	v23 =	vsub.f32 v14, v18  }
0x68: {  	v20 =	vmul.f32 $1.442695020e+00, v20  }
0x69: {  	v27 =	vld [tilespmem:s19+$0x1400];
	v26 =	vmul.f32 $5.000000000e-01, v24;
	v25 =	vmul.f32 $5.000000000e-01, v23  }
0x6a: {  	s20 =	simm.s32 $0x20;
	v29 =	vld [tilespmem:s19+$0x500];
	v21 =	vmul.f32 $1.442695020e+00, v21;
	v28 =	vmul.f32 v15, v23;
	v15 =	vpop (erf)  }
0x6b: {  	v16 =	vadd.f32 v26, v16;
	v26 =	vld [tilespmem:s20+$0x2300];
	(erf) = vpow2.f32 v20;
	v20 =	vmul.f32 v15, v23  }
0x6c: {  	v19 =	vmul.f32 v19, v24;
	v17 =	vsub.f32 v17, v22;
	v18 =	vadd.f32 v25, v18;
	v23 =	vld [tilespmem:s19+$0xF00]  }
0x6d: {  	v30 =	vld [tilespmem:s20+$0x1E00];
	v25 =	vpop (erf);
	(erf) = vpow2.f32 v21;
	v20 =	vmul.f32 $5.000000000e-01, v20  }
0x6e: {  	v15 =	vld [tilespmem:$0x1F3A0];
	v18 =	vadd.f32 v18, v28;
	v21 =	vmul.f32 v25, v24;
	v25 =	vmul.f32 $5.000000000e-01, v17  }
0x6f: {  	v19 =	vadd.f32 v16, v19;
	v27 =	vmul.f32 v27, v17;
	v24 =	vld [tilespmem:s19+$0x1900]  }
0x70: {  	v16 =	vld [tilespmem:s20+$0x0];
	v28 =	vadd.f32 v20, v18;
	v21 =	vmul.f32 $5.000000000e-01, v21;
	v22 =	vadd.f32 v25, v22  }
0x71: {  	v14 =	vld [tilespmem:$0x1F390];
	v26 =	vmul.f32 $1.442695020e+00, v26;
	v18 =	vsub.f32 v18, v20;
	v23 =	vsub.f32 v23, v29  }
0x72: {  	v25 =	vld [tilespmem:s20+$0xA00];
	v20 =	vmax.f32 v28, $0.0e+00;
	v28 =	vsub.f32 v19, v21;
	v21 =	vadd.f32 v21, v19  }
0x73: {  	v19 =	vadd.f32 v22, v27;
	v31 =	vmin.f32 v20, v15;
	v32 =	vmul.f32 $5.000000000e-01, v23  }
0x74: {  	v20 =	vld [tilespmem:s20+$0x1400];
	[tilespmem:s21+$0x3700] =	vst v31;
	v31 =	vmul.f32 v24, v23;
	v22 =	vpop (erf);
	v28 =	vmax.f32 v28, $0.0e+00;
	v24 =	vmax.f32 v18, $0.0e+00  }
0x75: {  	(erf) = vpow2.f32 v26;
	v18 =	vld [tilespmem:s20+$0x500];
	v29 =	vadd.f32 v32, v29;
	v63 =	vmul.f32 v22, v23  }
0x76: {  	v27 =	vmul.f32 $1.442695020e+00, v30;
	v26 =	vmax.f32 v21, $0.0e+00;
	v22 =	vld [tilespmem:s20+$0xF00];
	v30 =	vmin.f32 v28, v14  }
0x77: {  	s1 =	simm.s32 $0x100;
	s22 =	simm.s32 $0x30;
	v21 =	vsub.f32 v25, v16;
	[tilespmem:s21+$0x2800] =	vst v30;
	v23 =	vadd.f32 v29, v31;
	v25 =	vmul.f32 $5.000000000e-01, v63;
	v28 =	vpop (erf)  }
.LBB2_3:
0x78: {  	p2 =	sne.s32 s1, $0x13C0;
	v29 =	vld [tilespmem:s22+$0x2300];
	(erf) = vpow2.f32 v27;
	v27 =	vmul.f32 v28, v17;
	v31 =	vmin.f32 v24, v15  }
0x79: {  	v24 =	vld [tilespmem:s20+$0x1900];
	v28 =	vmul.f32 $5.000000000e-01, v21;
	v30 =	vmul.f32 v20, v21;
	v20 =	vadd.f32 v25, v23;
	[tilespmem:s21+$0x2D00] =	vst v31;
	v17 =	vmovc v21  }
0x7a: {  	v23 =	vsub.f32 v23, v25;
	v25 =	vmin.f32 v26, v14;
	v21 =	vld [tilespmem:s22+$0x1E00];
	v27 =	vmul.f32 $5.000000000e-01, v27  }
0x7b: {  	v22 =	vsub.f32 v22, v18;
	v33 =	vadd.f32 v28, v16;
	v16 =	vld [tilespmem:s22+$0x0];
	v20 =	vmax.f32 v20, $0.0e+00;
	[tilespmem:s21+$0x3200] =	vst v25;
	s21 =	smov.u32 s19;
	s19 =	smov.u32 s20;
	s20 =	smov.u32 s22  }
0x7c: {  	v25 =	vld [tilespmem:s20+$0xA00];
	v28 =	vsub.f32 v19, v27;
	v31 =	vadd.f32 v27, v19;
	v27 =	vmin.f32 v20, v15  }
.Ltmp3:
0x7d: {  	v20 =	vld [tilespmem:s20+$0x1400];
	v29 =	vmul.f32 $1.442695020e+00, v29;
	v32 =	vmul.f32 $5.000000000e-01, v22;
	v19 =	vadd.f32 v33, v30;
	[tilespmem:s21+$0x3700] =	vst v27;
	(pc) =	sbr.rel @p2 .LBB2_3-.Ltmp3, $4  }
0x7e: {  	v30 =	vmul.f32 v24, v22;
	v26 =	vpop (erf);
	v28 =	vmax.f32 v28, $0.0e+00;
	v24 =	vmax.f32 v23, $0.0e+00  }
0x7f: {  	(erf) = vpow2.f32 v29;
	v23 =	vadd.f32 v32, v18;
	v18 =	vld [tilespmem:s20+$0x500];
	v29 =	vmul.f32 v26, v22  }
0x80: {  	v27 =	vmul.f32 $1.442695020e+00, v21;
	v32 =	vmin.f32 v28, v14;
	v26 =	vmax.f32 v31, $0.0e+00;
	v22 =	vld [tilespmem:s20+$0xF00]  }
0x81: {  	s22 =	sshra.s32 s1, $0x2;
	s1 =	sadd.s32 $0x40, s1;
	v21 =	vsub.f32 v25, v16;
	v23 =	vadd.f32 v23, v30;
	v25 =	vmul.f32 $5.000000000e-01, v29;
	v28 =	vpop (erf);
	[tilespmem:s21+$0x2800] =	vst v32  }
0x82: {  	v29 =	vld [tilespmem:s22+$0x2300];
	v24 =	vmin.f32 v24, v15  }
0x83: {  	v30 =	vld [tilespmem:s20+$0x1900];
	[tilespmem:s21+$0x2D00] =	vst v24  }
0x84: {  	v24 =	vld [tilespmem:s22+$0x1E00]  }
0x85: {  	v26 =	vmin.f32 v26, v14;
	v17 =	vmul.f32 v28, v17;
	v31 =	vadd.f32 v25, v23  }
0x86: {  	(erf) = vpow2.f32 v27;
	v49 =	vmul.f32 $5.000000000e-01, v21;
	v23 =	vsub.f32 v23, v25  }
0x87: {  	v20 =	vmul.f32 v20, v21;
	v32 =	vld [tilespmem:s22+$0x0];
	[tilespmem:s21+$0x3200] =	vst v26;
	v17 =	vmul.f32 $5.000000000e-01, v17;
	v50 =	vmax.f32 v31, $0.0e+00  }
0x88: {  	v51 =	vld [tilespmem:s22+$0xA00];
	v22 =	vsub.f32 v22, v18;
	v27 =	vmin.f32 v50, v15;
	v29 =	vmul.f32 $1.442695020e+00, v29  }
0x89: {  	v52 =	vld [tilespmem:s22+$0x1400];
	v16 =	vadd.f32 v49, v16;
	v53 =	vsub.f32 v19, v17;
	[tilespmem:s19+$0x3700] =	vst v27;
	v24 =	vmul.f32 $1.442695020e+00, v24  }
0x8a: {  	v17 =	vadd.f32 v17, v19;
	v19 =	vmul.f32 $5.000000000e-01, v22;
	v54 =	vld [tilespmem:s22+$0x500];
	(erf) = vpow2.f32 v29  }
0x8b: {  	v56 =	vmul.f32 v30, v22;
	v27 =	vld [tilespmem:s22+$0xF00];
	v55 =	vpop (erf);
	v25 =	vmax.f32 v53, $0.0e+00;
	(erf) = vpow2.f32 v24  }
0x8c: {  	v18 =	vadd.f32 v19, v18;
	v19 =	vmul.f32 v55, v22;
	v22 =	vmin.f32 v25, v14;
	_ =	sdelay $0x1  }
0x8d: {  	v16 =	vadd.f32 v16, v20;
	v20 =	vmax.f32 v23, $0.0e+00;
	v17 =	vmax.f32 v17, $0.0e+00;
	[tilespmem:s19+$0x2800] =	vst v22  }
0x8e: {  	v23 =	vsub.f32 v51, v32;
	v18 =	vadd.f32 v18, v56;
	v19 =	vmul.f32 $5.000000000e-01, v19;
	v57 =	vld [tilespmem:s22+$0x1900];
	v22 =	vpop (erf)  }
0x8f: {  	v20 =	vmin.f32 v20, v15;
	v21 =	vmul.f32 v22, v21;
	v22 =	vsub.f32 v27, v54  }
0x90: {  	v17 =	vmin.f32 v17, v14;
	v58 =	vmul.f32 $5.000000000e-01, v23;
	v60 =	vadd.f32 v19, v18  }
0x91: {  	v59 =	vmul.f32 v52, v23;
	v18 =	vsub.f32 v18, v19;
	v19 =	vmul.f32 $5.000000000e-01, v22  }
0x92: {  	v25 =	vadd.f32 v58, v32;
	v21 =	vmul.f32 $5.000000000e-01, v21;
	v28 =	vmax.f32 v60, $0.0e+00;
	v61 =	vpop (erf)  }
0x93: {  	v24 =	vmul.f32 v57, v22;
	v19 =	vadd.f32 v19, v54;
	v22 =	vmul.f32 v61, v22;
	v62 =	vpop (erf)  }
0x94: {  	v63 =	vsub.f32 v16, v21;
	v16 =	vadd.f32 v21, v16;
	v21 =	vmul.f32 v62, v23  }
0x95: {  	[tilespmem:s19+$0x2D00] =	vst v20;
	v20 =	vmin.f32 v28, v15;
	v19 =	vadd.f32 v19, v24;
	v22 =	vmul.f32 $5.000000000e-01, v22  }
0x96: {  	[tilespmem:s19+$0x3200] =	vst v17;
	v17 =	vadd.f32 v25, v59;
	v23 =	vmax.f32 v63, $0.0e+00;
	v21 =	vmul.f32 $5.000000000e-01, v21  }
0x97: {  	v18 =	vmax.f32 v18, $0.0e+00;
	[tilespmem:s20+$0x3700] =	vst v20;
	v20 =	vmin.f32 v23, v14;
	v23 =	vadd.f32 v22, v19  }
0x98: {  	v18 =	vmin.f32 v18, v15;
	v16 =	vmax.f32 v16, $0.0e+00;
	[tilespmem:s20+$0x2800] =	vst v20;
	v20 =	vsub.f32 v17, v21  }
0x99: {  	[tilespmem:s20+$0x2D00] =	vst v18;
	v16 =	vmin.f32 v16, v14;
	v18 =	vsub.f32 v19, v22;
	v19 =	vmax.f32 v23, $0.0e+00  }
0x9a: {  	[tilespmem:s20+$0x3200] =	vst v16;
	v16 =	vadd.f32 v21, v17;
	v17 =	vmin.f32 v19, v15;
	v19 =	vmax.f32 v20, $0.0e+00  }
0x9b: {  	[tilespmem:s22+$0x3700] =	vst v17;
	v17 =	vmax.f32 v18, $0.0e+00;
	v18 =	vmin.f32 v19, v14  }
0x9c: {  	v16 =	vmax.f32 v16, $0.0e+00;
	v15 =	vmin.f32 v17, v15;
	[tilespmem:s22+$0x2800] =	vst v18  }
0x9d: {  	v14 =	vmin.f32 v16, v14;
	[tilespmem:s22+$0x2D00] =	vst v15  }
0x9e: {  	s1 =	simm.s32 $0x3C20;
	[tilespmem:s22+$0x3200] =	vst v14  }
0x9f: {  	v14 =	vld [tilespmem:s1+$0xFFFFFFE0]  }
0xa0: {  	v15 =	vld [tilespmem:s1+$0xFFFFFFF0]  }
0xa1: {  	v16 =	vld [tilespmem:s1+$0x0]  }
0xa2: {  	v17 =	vld [tilespmem:s1+$0x10]  }
0xa3: {  	v18 =	vld [tilespmem:s1+$0x20]  }
0xa4: {  	s23 =	simm.s32 $0x3C70;
	v14 =	vmax.f32 v14, $-9.999999850e+30  }
0xa5: {  	v14 =	vmax.f32 v14, v15;
	v15 =	vld [tilespmem:s23+$0xFFFFFFE0]  }
0xa6: {  	v14 =	vmax.f32 v14, v16;
	v16 =	vld [tilespmem:s23+$0xFFFFFFF0]  }
0xa7: {  	v14 =	vmax.f32 v14, v17;
	v17 =	vld [tilespmem:s23+$0x0]  }
0xa8: {  	v14 =	vmax.f32 v14, v18;
	v18 =	vld [tilespmem:s23+$0x10]  }
0xa9: {  	s24 =	simm.s32 $0x3CC0;
	v19 =	vld [tilespmem:s23+$0x20];
	(xrf0) =	vmax.scan.msk.f32 $0xffff, v14  }
0xaa: {  	v20 =	vld [tilespmem:s24+$0xFFFFFFE0];
	v14 =	vmax.f32 v15, $-9.999999850e+30  }
0xab: {  	v14 =	vmax.f32 v14, v16  }
0xac: {  	v16 =	vld [tilespmem:s24+$0xFFFFFFF0];
	v14 =	vmax.f32 v14, v17  }
0xad: {  	v15 =	vld [tilespmem:s24+$0x0];
	v18 =	vmax.f32 v14, v18  }
0xae: {  	v17 =	vld [tilespmem:s24+$0x10];
	v19 =	vmax.f32 v18, v19  }
0xaf: {  	s21 =	simm.s32 $0x3D10;
	v21 =	vmax.f32 v20, $-9.999999850e+30;
	v18 =	vld [tilespmem:s24+$0x20];
	v22, _, _ =	vpop (xrf0);
	(xrf0) =	vmax.scan.msk.f32 $0xffff, v19  }
0xb0: {  	s19 =	simm.s32 $0x1;
	s20 =	simm.s32 $0x3;
	s1 =	simm.s32 $0x2;
	v20 =	vmov s18;
	v14 =	vimm.f32 $-9.999999850e+30;
	v19 =	vbroadcast v22, $0xF  }
.LBB2_5:
0xb1: {  	v22 =	vld [tilespmem:s21+$0xFFFFFFE0];
	p2 =	sne.s32 s20, $0xF;
	v21 =	vmax.f32 v21, v16;
	vm4 =	veq.s32 v20, v0;
	s18 =	smov.u32 s20;
	s20 =	sadd.s32 $0x1, s20  }
.Ltmp4:
0xb2: {  	v16 =	vld [tilespmem:s21+$0xFFFFFFF0];
	v20 =	vmax.f32 v21, v15;
	v14 =	vsel vm4, v19, v14;
	(pc) =	sbr.rel @p2 .LBB2_5-.Ltmp4, $4  }
0xb3: {  	v15 =	vld [tilespmem:s21+$0x0];
	v21 =	vmax.f32 v20, v17  }
0xb4: {  	v17 =	vld [tilespmem:s21+$0x10];
	v20 =	vmax.f32 v21, v18  }
0xb5: {  	v18 =	vld [tilespmem:s21+$0x20];
	(xrf0) =	vmax.scan.msk.f32 $0xffff, v20;
	v19, _, _ =	vpop (xrf0)  }
0xb6: {  	s21 =	sadd.s32 $0x50, s21;
	v20 =	vmov s19;
	s19 =	smov.u32 s1;
	s1 =	smov.u32 s18;
	v21 =	vmax.f32 v22, $-9.999999850e+30;
	v19 =	vbroadcast v19, $0xF  }
0xb7: {  	v16 =	vmax.f32 v21, v16  }
0xb8: {  	v15 =	vmax.f32 v16, v15  }
0xb9: {  	v15 =	vmax.f32 v15, v17  }
0xba: {  	v15 =	vmax.f32 v15, v18  }
0xbb: {  	(xrf0) =	vmax.scan.msk.f32 $0xffff, v15;
	_ =	sdelay $0x4  }
0xbc: {  	vm4 =	veq.s32 v20, v0;
	v15, _, _ =	vpop (xrf0)  }
0xbd: {  	v61 =	vmov s19;
	v63 =	vmov s1;
	v15 =	vbroadcast v15, $0xF;
	v62, _, _ =	vpop (xrf0)  }
0xbe: {  	v14 =	vsel vm4, v19, v14;
	vm4 =	veq.s32 v61, v0;
	v17 =	vbroadcast v62, $0xF  }
0xbf: {  	v14 =	vsel vm4, v15, v14;
	vm4 =	veq.s32 v63, v0  }
0xc0: {  	v14 =	vsel vm4, v17, v14  }
0xc1: {  	s22 =	rddreg [dreg:$0x11];
	s18 =	simm.s32 $0x2800;
	[tilespmem:$0x4100] =	vst v14  }
0xc2: {  	[spmem:s22] =	stream.linear.scatter [tilespmem:s18], [sflag:$0x7], $0x500, $0x38;
	[tilespmem:$0x1F410] =	vst v63  }
0xc3: {  	_ =	swait.ge [sflag:s26], $0x500  }
0xc4: {  	[sflag:s26] =	ssyncset.done $0x0  }
0xc5: {  	s24 =	simm.s32 $0x2D00;
	s23 =	rddreg [dreg:$0x12];
	[sflag:s26] =	ssyncadd.s32 $0xFFFFFB00  }
0xc6: {  	[spmem:s23] =	stream.linear.scatter [tilespmem:s24], [sflag:$0x7], $0x500, $0x38;
	[tilespmem:$0x1F410] =	vst v63  }
0xc7: {  	_ =	swait.ge [sflag:s26], $0x500  }
0xc8: {  	[sflag:s26] =	ssyncset.done $0x0  }
0xc9: {  	s20 =	simm.s32 $0x3200;
	s19 =	rddreg [dreg:$0x13];
	[sflag:s26] =	ssyncadd.s32 $0xFFFFFB00  }
0xca: {  	[spmem:s19] =	stream.linear.scatter [tilespmem:s20], [sflag:$0x7], $0x500, $0x38;
	[tilespmem:$0x1F410] =	vst v63  }
0xcb: {  	_ =	swait.ge [sflag:s26], $0x500  }
0xcc: {  	[sflag:s26] =	ssyncset.done $0x0  }
0xcd: {  	s22 =	simm.s32 $0x3700;
	s21 =	rddreg [dreg:$0x14];
	[sflag:s26] =	ssyncadd.s32 $0xFFFFFB00  }
0xce: {  	[spmem:s21] =	stream.linear.scatter [tilespmem:s22], [sflag:$0x7], $0x500, $0x38;
	[tilespmem:$0x1F410] =	vst v63  }
0xcf: {  	_ =	swait.ge [sflag:s26], $0x500  }
0xd0: {  	[sflag:s26] =	ssyncset.done $0x0  }
0xd1: {  	s24 =	simm.s32 $0x4100;
	s23 =	rddreg [dreg:$0x15];
	[sflag:s26] =	ssyncadd.s32 $0xFFFFFB00  }
0xd2: {  	[spmem:s23] =	stream.linear.scatter [tilespmem:s24], [sflag:$0x7], $0x10, $0x38;
	[tilespmem:$0x1F410] =	vst v63  }
0xd3: {  	_ =	swait.ge [sflag:s26], $0x10  }
0xd4: {  	[sflag:s26] =	ssyncset.done $0x0  }
0xd5: {  	[sflag:s26] =	ssyncadd.s32 $0xFFFFFFF0  }
.LBB2_7:
.Ltmp5:
0xd6: {  	(pc) =	sbr.rel @p0 .LBB2_28-.Ltmp5, $2  }
0xd7: {  	_ =	sdelay $0x1  }
0xd8: {  	[bflag:$0x0] =	sbarrier.arrive $0xFFFF;
	_ =	sdelay $0x1  }
0xd9: {  	s1 =	rddreg [dreg:$0x2]  }
0xda: {  	[tilespmem:s29], [sflag:$0x2] =	stream.linear.gather [spmem:s1], $0x5000, $0x38;
	[tilespmem:$0x1F410] =	vst v63  }
0xdb: {  	s21 =	rddreg [dreg:$0x3]  }
0xdc: {  	[tilespmem:s30], [sflag:$0x3] =	stream.linear.gather [spmem:s21], $0x5000, $0x38;
	[tilespmem:$0x1F410] =	vst v63  }
0xdd: {  	s22 =	rddreg [dreg:$0x4]  }
0xde: {  	[tilespmem:s31], [sflag:$0x4] =	stream.linear.gather [spmem:s22], $0x5000, $0x38;
	[tilespmem:$0x1F410] =	vst v63  }
0xdf: {  	s23 =	rddreg [dreg:$0x5]  }
0xe0: {  	[tilespmem:s5], [sflag:$0x5] =	stream.linear.gather [spmem:s23], $0x5000, $0x38;
	[tilespmem:$0x1F410] =	vst v63  }
0xe1: {  	s24 =	rddreg [dreg:$0x6];
	s18 =	simm.s32 $0x40;
	s1 =	simm.s32 $0x0  }
0xe2: {  	[tilespmem:s8], [sflag:$0x6] =	stream.linear.gather [spmem:s24], $0x100, $0x38;
	[tilespmem:$0x1F410] =	vst v63  }
.LBB2_9:
0xe3: {  	p2 =	sne.s32 s18, $0x4C0;
	[tilespmem:s1+$0x1ED10] =	vst v1;
	s19 =	smov.u32 s18;
	s18 =	sadd.s32 $0x40, s18  }
.Ltmp6:
0xe4: {  	[tilespmem:s1+$0x1EB90] =	vst v1;
	(pc) =	sbr.rel @p2 .LBB2_9-.Ltmp6, $4  }
0xe5: {  	[tilespmem:s1+$0x1EA10] =	vst v1  }
0xe6: {  	[tilespmem:s1+$0x1E710] =	vst v1  }
0xe7: {  	[tilespmem:s1+$0x1E890] =	vst v1  }
0xe8: {  	s1 =	sshra.s32 s19, $0x2  }
0xe9: {  	[tilespmem:s1+$0x1ED10] =	vst v1  }
0xea: {  	[tilespmem:s1+$0x1EB90] =	vst v1  }
0xeb: {  	[tilespmem:s1+$0x1EA10] =	vst v1  }
0xec: {  	[tilespmem:s1+$0x1E710] =	vst v1  }
0xed: {  	[tilespmem:s1+$0x1E890] =	vst v1;
	s1 =	simm.s32 $0x40;
	s18 =	simm.s32 $0x0  }
.LBB2_11:
0xee: {  	p2 =	sne.s32 s1, $0x13C0;
	[tilespmem:s18+$0x1EE90] =	vst v1;
	s18 =	smov.u32 s1;
	s1 =	sadd.s32 $0x40, s1  }
.Ltmp7:
0xef: {  	(pc) =	sbr.rel @p2 .LBB2_11-.Ltmp7, $2  }
0xf0: {  	_ =	sdelay $0x2  }
0xf1: {  	s18 =	sshra.s32 s18, $0x2  }
0xf2: {  	[tilespmem:s18+$0x1EE90] =	vst v1;
	s1 =	simm.s32 $0x6  }
0xf3: {  	_ =	swait.ge [sflag:s1], $0x100  }
0xf4: {  	[sflag:s1] =	ssyncset.done $0x0  }
0xf5: {  	s23 =	simm.s32 $0x1E590;
	[sflag:s1] =	ssyncadd.s32 $0xFFFFFF00  }
0xf6: {  	v14 =	vld [tilespmem:s23+$0x0];
	_ =	sdelay $0x4  }
0xf7: {  	s24 =	simm.s32 $0x1E5A0;
	(xrf0) =	vmax.scan.msk.f32 $0xffff, v14  }
0xf8: {  	v15 =	vld [tilespmem:s24+$0x0];
	_ =	sdelay $0x3  }
0xf9: {  	s18 =	simm.s32 $0x0  }
0xfa: {  	s19 =	simm.s32 $0x2;
	s20 =	simm.s32 $0x1E5B0;
	s1 =	simm.s32 $0x1;
	v14 =	vimm.f32 $-9.999999850e+30;
	(xrf0) =	vmax.scan.msk.f32 $0xffff, v15;
	v15, _, _ =	vpop (xrf0)  }
.LBB2_13:
0xfb: {  	p2 =	sne.s32 s19, $0xF  }
0xfc: {  	v16 =	vld [tilespmem:s20+$0x0];
	v17 =	vmov s18;
	v15 =	vbroadcast v15, $0xF;
	s18 =	smov.u32 s1;
	s1 =	smov.u32 s19;
	s19 =	sadd.s32 $0x1, s19  }
.Ltmp8:
0xfd: {  	vm4 =	veq.s32 v17, v0;
	(pc) =	sbr.rel @p2 .LBB2_13-.Ltmp8, $2  }
0xfe: {  	v14 =	vsel vm4, v15, v14;
	_ =	sdelay $0x2  }
0xff: {  	s20 =	sadd.s32 $0x10, s20;
	(xrf0) =	vmax.scan.msk.f32 $0xffff, v16;
	v15, _, _ =	vpop (xrf0)  }
0x100: {  	_ =	sdelay $0x4  }
0x101: {  	v16 =	vmov s18;
	v15 =	vbroadcast v15, $0xF;
	v17, _, _ =	vpop (xrf0)  }
0x102: {  	v63 =	vmov s1;
	vm4 =	veq.s32 v16, v0;
	v17 =	vbroadcast v17, $0xF  }
0x103: {  	v14 =	vsel vm4, v15, v14;
	vm4 =	veq.s32 v63, v0  }
0x104: {  	v14 =	vsel vm4, v17, v14  }
0x105: {  	[tilespmem:$0x1E690] =	vst v14  }
0x106: {  	_ =	swait.ge [sflag:s2], $0x5000  }
0x107: {  	[sflag:s2] =	ssyncset.done $0x0  }
0x108: {  	[sflag:s2] =	ssyncadd.s32 $0xFFFFB000  }
0x109: {  	_ =	swait.ge [sflag:s3], $0x5000  }
0x10a: {  	[sflag:s3] =	ssyncset.done $0x0  }
0x10b: {  	[sflag:s3] =	ssyncadd.s32 $0xFFFFB000  }
0x10c: {  	_ =	swait.ge [sflag:s4], $0x5000  }
0x10d: {  	[sflag:s4] =	ssyncset.done $0x0  }
0x10e: {  	[sflag:s4] =	ssyncadd.s32 $0xFFFFB000  }
0x10f: {  	_ =	swait.ge [sflag:s6], $0x5000  }
.Ltmp9:
0x110: {  	[sflag:s6] =	ssyncset.done $0x0;
	(pc) =	sbr.rel .LBB2_15-.Ltmp9, $4  }
0x111: {  	[sflag:s6] =	ssyncadd.s32 $0xFFFFB000  }
0x112: {  	_ =	swait.ge [sflag:s7], $0x5000  }
0x113: {  	[sflag:s7] =	ssyncset.done $0x0  }
0x114: {  	s18 =	simm.s32 $0x0;
	[sflag:s7] =	ssyncadd.s32 $0xFFFFB000  }
.LBB2_17:
0x115: {  	v32 =	vimm.f32 $0.0e+00;
	v33 =	vimm.f32 $0.0e+00  }
0x116: {  	s24 =	simm.s32 $0x1ED30;
	v29 =	vimm.f32 $0.0e+00;
	v35 =	vimm.f32 $0.0e+00;
	v25 =	vimm.f32 $0.0e+00  }
.LBB2_25:
0x117: {  	v47 =	vld [tilespmem:s22+$0xFFFFFFE0]  }
0x118: {  	v48 =	vld [tilespmem:s21+$0xFFFFFFE0]  }
0x119: {  	v49 =	vld [tilespmem:s23+$0xFFFFFFE0]  }
0x11a: {  	v62 =	vld [tilespmem:s20+$0xFFFFFFF0]  }
0x11b: {  	v51 =	vld [tilespmem:s22+$0xFFFFFFF0]  }
0x11c: {  	v44 =	vmax.f32 @p2 v44, $0.0e+00;
	v40 =	vadd.f32 @p2 v40, v19;
	v52 =	vld [tilespmem:s21+$0xFFFFFFF0]  }
0x11d: {  	v45 =	vsub.f32 @p2 v45, v31;
	v36 =	vmax.f32 v36, v15;
	v37 =	vmax.f32 v37, v16;
	v63 =	vld [tilespmem:s23+$0xFFFFFFF0]  }
0x11e: {  	v38 =	vmin.f32 v38, v18;
	v39 =	vmin.f32 v39, v17;
	v43 =	vmul.f32 @p2 v46, v43;
	v55 =	vld [tilespmem:s20+$0x0]  }
0x11f: {  	v56 =	vld [tilespmem:s22+$0x0];
	v30 =	vmul.f32 @p2 v30, v44;
	v36 =	vsub.f32 v38, v36;
	v37 =	vsub.f32 v39, v37  }
0x120: {  	s1 =	sadd.s32 @p2 $0x40, s24;
	v58 =	vld [tilespmem:s20+$0xFFFFFFE0];
	v40 =	vsub.f32 @p2 v40, v43;
	v45 =	vadd.f32 @p2 $9.999999710e-10, v45  }
0x121: {  	v59 =	vld [tilespmem:s21+$0x0];
	s19 =	smov.u32 @p2 s1;
	v42 =	vsub.f32 @p2 v42, v30;
	v36 =	vmax.f32 v36, $0.0e+00;
	v37 =	vmax.f32 v37, $0.0e+00  }
0x122: {  	v50 =	vld [tilespmem:s19+$0x10];
	v36 =	vmul.f32 v37, v36;
	v40 =	vadd.f32 @p2 $9.999999710e-10, v40;
	v53 =	vmax.f32 v47, v16  }
0x123: {  	v61 =	vld [tilespmem:s23+$0x0];
	v42 =	vadd.f32 @p2 $9.999999710e-10, v42;
	v54 =	vmin.f32 v49, v17;
	v44 =	vmax.f32 v62, v15  }
0x124: {  	v60 =	vmin.f32 v52, v18;
	v48 =	vmin.f32 v48, v18;
	v51 =	vmax.f32 v51, v16  }
0x125: {  	v38 =	vmin.f32 v63, v17;
	v47 =	vmax.f32 v55, v15;
	v39 =	vsub.f32 v54, v53  }
0x126: {  	v62 =	vld [tilespmem:s19+$0xFFFFFFE0];
	v49 =	vmax.f32 v58, v15;
	v44 =	vsub.f32 v60, v44;
	v38 =	vsub.f32 v38, v51  }
0x127: {  	v63 =	vld [tilespmem:s19+$0xFFFFFFF0];
	v46 =	vmax.f32 v56, v16;
	v48 =	vsub.f32 v48, v49;
	v57 =	vadd.f32 v50, v19  }
0x128: {  	v52 =	vld [tilespmem:s19+$0x0];
	(erf) = vrcp.f32 @p2 v42;
	v42 =	vmin.f32 v59, v18;
	v50 =	vmin.f32 v61, v17  }
0x129: {  	v39 =	vmax.f32 v39, $0.0e+00;
	(erf) = vrcp.f32 @p2 v45;
	v44 =	vmax.f32 v44, $0.0e+00  }
0x12a: {  	v38 =	vmax.f32 v38, $0.0e+00;
	v42 =	vsub.f32 v42, v47;
	v46 =	vsub.f32 v50, v46  }
0x12b: {  	v53 =	vmax.f32 v48, $0.0e+00;
	v37 =	vsub.f32 v57, v36;
	v38 =	vmul.f32 v38, v44  }
0x12c: {  	v39 =	vmul.f32 v39, v53;
	v54 =	vadd.f32 v62, v19;
	v45 =	vadd.f32 v63, v19  }
0x12d: {  	v42 =	vmax.f32 v42, $0.0e+00;
	v46 =	vmax.f32 v46, $0.0e+00;
	v55 =	vadd.f32 v52, v19  }
0x12e: {  	v37 =	vadd.f32 $9.999999710e-10, v37;
	v42 =	vmul.f32 v46, v42;
	v44 =	vsub.f32 v54, v39  }
0x12f: {  	v56 =	vsub.f32 v45, v38  }
0x130: {  	(erf) = vrcp.f32 v37;
	v46 =	vsub.f32 v55, v42;
	v45 =	vpop @p3 (erf);
	v44 =	vadd.f32 $9.999999710e-10, v44  }
0x131: {  	(erf) = vrcp.f32 @p2 v40;
	v37 =	vadd.f32 $9.999999710e-10, v56;
	v47 =	vpop @p3 (erf)  }
0x132: {  	v27 =	vmul.f32 @p3 v45, v27;
	v57 =	vadd.f32 $9.999999710e-10, v46;
	v40 =	vpop @p2 (erf);
	(erf) = vrcp.f32 v44  }
0x133: {  	v32 =	vmax.f32 @p4 v32, v34;
	v22 =	vmul.f32 @p2 v40, v22;
	v40 =	vpop @p3 (erf);
	(erf) = vrcp.f32 v37  }
0x134: {  	v33 =	vmax.f32 @p4 v33, v41;
	v26 =	vmul.f32 @p3 v47, v26;
	(erf) = vrcp.f32 v57  }
0x135: {  	v24 =	vpsel p2, v30, v24;
	v30 =	vpsel p4, v32, v20;
	v32 =	vpsel p4, v33, v20  }
0x136: {  	v27 =	vmax.f32 @p3 v35, v27;
	v34 =	vpop @p2 (erf);
	v28 =	vmul.f32 @p3 v40, v28;
	v26 =	vpsel p3, v26, v0  }
0x137: {  	v37 =	vpop @p2 (erf);
	v22 =	vmax.f32 @p2 v29, v22;
	v29 =	vmov @p2 v31;
	v24 =	vmul.f32 @p2 v34, v24  }
0x138: {  	v31 =	vmovc @p2 v43;
	v26 =	vmax.f32 @p3 v30, v26;
	v28 =	vpsel p3, v28, v0;
	v22 =	vpsel p2, v22, v25  }
0x139: {  	v21 =	vpsel p2, v29, v21;
	v23 =	vpsel p2, v31, v23;
	v25 =	vpsel p3, v27, v20;
	v58 =	vpop (erf)  }
0x13a: {  	v26 =	vpsel p3, v26, v20;
	v28 =	vmax.f32 @p3 v32, v28;
	v21 =	vmul.f32 @p2 v37, v21;
	v29 =	vpop @p2 (erf)  }
0x13b: {  	v24 =	vmax.f32 @p2 v25, v24;
	v27 =	vpsel p3, v28, v20;
	v23 =	vmul.f32 @p2 v29, v23;
	v60 =	vpop (erf)  }
0x13c: {  	v24 =	vpsel p2, v24, v20;
	v59 =	vmul.f32 v58, v36;
	v21 =	vpsel p2, v21, v0;
	v61 =	vpop (erf)  }
0x13d: {  	v21 =	vmax.f32 @p2 v26, v21;
	v23 =	vpsel p2, v23, v0;
	v25 =	vmul.f32 v60, v39;
	v62 =	vpop (erf)  }
0x13e: {  	v23 =	vmax.f32 @p2 v27, v23;
	v63 =	vmul.f32 v61, v38;
	v26 =	vmul.f32 v62, v42  }
0x13f: {  	v22 =	vmax.f32 v22, v59;
	v21 =	vpsel p2, v21, v20;
	v20 =	vpsel p2, v23, v20  }
0x140: {  	v23 =	vmax.f32 v24, v25;
	v21 =	vmax.f32 v21, v63;
	v20 =	vmax.f32 v20, v26  }
0x141: {  	v21 =	vmax.f32 v23, v21;
	v20 =	vmax.f32 v20, v22  }
0x142: {  	v20 =	vmax.f32 v21, v20  }
.LBB2_26:
0x143: {  	(xrf0) =	vmax.scan.msk.f32 $0xffff, v20;
	_ =	sdelay $0x5  }
0x144: {  	v20, _, _ =	vpop (xrf0)  }
0x145: {  	vm4 =	vle.f32 v20, $6.999999880e-01  }
0x146: {  	v20 =	vsel vm4, $0x1, v13  }
0x147: {  	v20 =	vbroadcast v20, $0xF;
	_ =	sdelay $0x1  }
0x148: {  	v20 =	vand.u32 $0x1, v20  }
0x149: {  	vm4 =	vgt.f32 v14, $-1.000000020e+30;
	vm5 =	veq.s32 v20, $0x1  }
0x14a: {  	vm5 =	vmand vm4, vm5  }
0x14b: {  	v60 =	vsel vm4, $0x40000000, v1;
	v14 =	vsel vm5, $0x3F800000, v1  }
0x14c: {  	v14 =	vadd.f32 v14, v60;
	_ =	sdelay $0x1  }
0x14d: {  	(xrf0) =	vmax.scan.msk.f32 $0xffff, v14;
	_ =	sdelay $0x5  }
0x14e: {  	v14, _, _ =	vpop (xrf0)  }
0x14f: {  	(v2sf) =	vpush v14, $0xF;
	_ =	sdelay $0xe  }
0x150: {  	s1 =	spop (v2sf)  }
0x151: {  	s1 =	scvt.f32.s32 s1;
	_ =	sdelay $0x1  }
0x152: {  	s19 =	sand.u32 $0x1, s1  }
0x153: {  	vm4 =	vmand vm5, vm0;
	p2 =	slt.s32 s1, $0x1;
	p3 =	seq.s32 s19, $0x1  }
0x154: {  	v14 =	vmov s18;
	s20 =	sshrl.u32 s1, $0x1F;
	p2 =	por !p2, !p3  }
0x155: {  	s1 =	sadd.s32 s20, s1;
	s20 =	simm.s32 $0x1;
	p2 =	por !p2, !p2  }
0x156: {  	s18 =	sadd.s32 s18, s19;
	s1 =	sshra.s32 s1, $0x1;
	s20 =	simm.s32 @!p2 $0x0  }
0x157: {  	p2 =	sgt.u32 s18, $0x12B;
	s1 =	ssub.s32 s1, s20  }
0x158: {  	vm5 =	vmand vm5, vm3;
	v61 =	vshll.u32 v14, $0x2;
	p3 =	sgt.s32 @!p2 s1, $0x0  }
0x159: {  	v20 =	vadd.s32 v0, v61;
	[tilespmem:v14+s10+$0x0] =	vst.idx.msk vm4, v15;
	p2 =	por p2, !p3  }
.Ltmp10:
0x15a: {  	[tilespmem:v14+s12+$0x0] =	vst.idx.msk vm4, v16;
	(pc) =	sbr.rel @p2 .LBB2_27-.Ltmp10, $4  }
0x15b: {  	v62 =	vsel vm1, v17, v18;
	[tilespmem:v14+s13+$0x0] =	vst.idx.msk vm4, v18  }
0x15c: {  	v63 =	vsel vm2, v62, v16;
	[tilespmem:v14+s14+$0x0] =	vst.idx.msk vm4, v17  }
0x15d: {  	[tilespmem:v14+s15+$0x0] =	vst.idx.msk vm4, v19;
	v14 =	vsel vm0, v15, v63  }
0x15e: {  	[tilespmem:v20+s16+$0x0] =	vst.idx.msk vm5, v14  }
.LBB2_15:
0x15f: {  	v15 =	vld [tilespmem:$0x1E690];
	_ =	sdelay $0x4  }
0x160: {  	(xrf0) =	vmax.scan.msk.f32 $0xffff, v15;
	_ =	sdelay $0x5  }
0x161: {  	v14, _, _ =	vpop (xrf0)  }
0x162: {  	v14 =	vbroadcast v14, $0xF;
	_ =	sdelay $0x1  }
0x163: {  	vm4 =	veq.f32 v15, v14  }
0x164: {  	v15 =	vmctz.xlane vm4;
	_ =	sdelay $0x1  }
0x165: {  	v16 =	vshll.u32 v15, $0x4  }
0x166: {  	v17 =	vor.u32 v0, v16;
	_ =	sdelay $0x4  }
0x167: {  	v17 =	vld.idx.msk [tilespmem:v17+s8+$0x0], $0xffff;
	_ =	sdelay $0x4  }
0x168: {  	vm4 =	veq.f32 v17, v14  }
0x169: {  	v18 =	vmctz.xlane vm4;
	_ =	sdelay $0x1  }
0x16a: {  	v16 =	vadd.s32 v16, v18  }
0x16b: {  	v19 =	vmul.u32 $0x50, v16;
	_ =	sdelay $0x1  }
0x16c: {  	v20 =	vadd.s32 v2, v19;
	_ =	sdelay $0x1  }
0x16d: {  	v21 =	vadd.s32 v5, v19;
	_ =	sdelay $0x1  }
0x16e: {  	v22 =	vadd.s32 v7, v19  }
0x16f: {  	v20 =	vld.idx.msk [tilespmem:v20+s0+$0x0], $0xffff  }
0x170: {  	v23 =	vadd.s32 v9, v19  }
0x171: {  	v21 =	vld.idx.msk [tilespmem:v21+s0+$0x0], $0xffff  }
0x172: {  	v24 =	vadd.s32 v11, v19  }
0x173: {  	v22 =	vld.idx.msk [tilespmem:v22+s0+$0x0], $0xffff  }
0x174: {  	vm4 =	vgt.f32 v20, $-9.999999850e+30  }
0x175: {  	v23 =	vld.idx.msk [tilespmem:v23+s0+$0x0], $0xffff;
	v25 =	vnsel vm4, $0xF2FC6F7C, v20  }
0x176: {  	vm5 =	vgt.f32 v21, v25  }
0x177: {  	v24 =	vld.idx.msk [tilespmem:v24+s0+$0x0], $0xffff;
	v26 =	vsel vm5, v21, v25  }
0x178: {  	vm6 =	vgt.f32 v22, v26  }
0x179: {  	v27 =	vsel vm6, v22, v26  }
0x17a: {  	v20 =	vmax.f32 v20, $-9.999999850e+30;
	vm7 =	vgt.f32 v23, v27  }
0x17b: {  	v28 =	vnsel vm4, $0x0, v4;
	v20 =	vsel vm4, $0xF2FC6F7C, v20;
	v29 =	vsel vm7, v23, v27  }
0x17c: {  	v21 =	vsel vm5, v25, v21;
	v63 =	vsel vm5, v6, v28;
	vm4 =	vgt.f32 v24, v29  }
0x17d: {  	v20 =	vmax.f32 v20, v21;
	v21 =	vsel vm6, v26, v22;
	v22 =	vsel vm4, v24, v29  }
0x17e: {  	v25 =	vsel vm6, v8, v63;
	v20 =	vmax.f32 v20, v21;
	vm5 =	veq.f32 v22, v14  }
0x17f: {  	v23 =	vsel vm7, v27, v23;
	v25 =	vsel vm7, v10, v25;
	v21 =	vmctz.xlane vm5  }
0x180: {  	v20 =	vmax.f32 v20, v23;
	v24 =	vsel vm4, v29, v24;
	v25 =	vsel vm4, v12, v25  }
0x181: {  	v20 =	vmax.f32 v20, v24;
	v23 =	vnsel vm5, $0x4E6E6B28, v25;
	vm4 =	veq.s32 v21, v0  }
0x182: {  	(xrf0) =	vmin.scan.msk.f32 $0xffff, v23;
	v20 =	vsel vm4, v20, v22  }
0x183: {  	(xrf0) =	vmax.scan.msk.f32 $0xffff, v20;
	_ =	sdelay $0x4  }
0x184: {  	v20, _, _ =	vpop (xrf0)  }
0x185: {  	v21, _, _ =	vpop (xrf0)  }
0x186: {  	v20 =	vtrunc.f32 v20;
	v21 =	vbroadcast v21, $0xF  }
0x187: {  	vm4 =	veq.s32 v18, v0;
	v20 =	vcvt.f32.s32 v20  }
0x188: {  	v17 =	vsel vm4, v21, v17  }
0x189: {  	v18 =	vbroadcast v20, $0xF;
	(xrf0) =	vmax.scan.msk.f32 $0xffff, v17;
	_ =	sdelay $0x1  }
0x18a: {  	v17 =	vadd.s32 v19, v18;
	_ =	sdelay $0x3  }
0x18b: {  	v18, _, _ =	vpop (xrf0)  }
0x18c: {  	[tilespmem:v17+s0+$0x0] =	vst.idx.msk $0x1, v3;
	v18 =	vbroadcast v18, $0xF  }
0x18d: {  	[tilespmem:v16+s8+$0x0] =	vst.idx.msk $0x1, v21  }
0x18e: {  	[tilespmem:v15+s28+$0x0] =	vst.idx.msk $0x1, v18  }
0x18f: {  	v15 =	vld.idx.msk [tilespmem:v17+s29+$0x0], $0xffff  }
0x190: {  	v16 =	vld.idx.msk [tilespmem:v17+s30+$0x0], $0xffff  }
0x191: {  	v18 =	vld.idx.msk [tilespmem:v17+s31+$0x0], $0xffff  }
0x192: {  	v17 =	vld.idx.msk [tilespmem:v17+s5+$0x0], $0xffff;
	_ =	sdelay $0x1  }
0x193: {  	s1 =	sadd.s32 $0x3F, s18  }
0x194: {  	s1 =	sshrl.u32 s1, $0x6  }
0x195: {  	p2 =	seq.s32 s1, $0x0  }
.Ltmp11:
0x196: {  	v19 =	vsub.f32 v18, v15;
	v20 =	vsub.f32 v17, v16;
	(pc) =	sbr.rel @p2 .LBB2_26-.Ltmp11, $4  }
0x197: {  	_ = 	snop  }
0x198: {  	v19 =	vmax.f32 v19, $0.0e+00;
	v21 =	vmax.f32 v20, $0.0e+00  }
0x199: {  	v19 =	vmul.f32 v21, v19  }
0x19a: {  	v20 =	vimm.f32 $0.0e+00  }
0x19b: {  	p5 =	sne.s32 s1, $0x1  }
.Ltmp12:
0x19c: {  	s20 =	simm.s32 $0x1E730;
	(pc) =	sbr.rel @!p5 .LBB2_17-.Ltmp12, $4  }
0x19d: {  	s22 =	simm.s32 $0x1E8B0;
	v36 =	vld [tilespmem:s20+$0x10]  }
0x19e: {  	s21 =	simm.s32 $0x1EA30;
	v37 =	vld [tilespmem:s22+$0x10]  }
0x19f: {  	s19 =	simm.s32 $0x1ED30;
	s23 =	simm.s32 $0x1EBB0;
	s1 =	sadd.s32 $0xFFFFFFFF, s1;
	v38 =	vld [tilespmem:s21+$0x10]  }
0x1a0: {  	p2 =	por $0x0, $0x0;
	p3 =	por $0x0, $0x0;
	p4 =	por $0x0, $0x0;
	v39 =	vld [tilespmem:s23+$0x10]  }
0x1a1: {  	v21 =	vld [tilespmem:s22+$0xFFFFFFE0]  }
0x1a2: {  	v23 =	vld [tilespmem:s21+$0xFFFFFFE0]  }
0x1a3: {  	v24 =	vld [tilespmem:s23+$0xFFFFFFE0]  }
0x1a4: {  	v25 =	vld [tilespmem:s19+$0x10]  }
0x1a5: {  	v26 =	vld [tilespmem:s20+$0xFFFFFFF0]  }
0x1a6: {  	v30 =	vld [tilespmem:s22+$0xFFFFFFF0]  }
0x1a7: {  	v31 =	vld [tilespmem:s20+$0x0]  }
0x1a8: {  	v32 =	vld [tilespmem:s21+$0x0];
	v22 =	vmax.f32 v36, v15;
	v28 =	vmin.f32 v38, v18  }
0x1a9: {  	v27 =	vmax.f32 v37, v16;
	v29 =	vmin.f32 v39, v17;
	v22 =	vsub.f32 v28, v22;
	v28 =	vld [tilespmem:s21+$0xFFFFFFF0]  }
0x1aa: {  	v27 =	vsub.f32 v29, v27;
	v29 =	vld [tilespmem:s23+$0xFFFFFFF0]  }
0x1ab: {  	v60 =	vld [tilespmem:s22+$0x0];
	v25 =	vadd.f32 v25, v19;
	v21 =	vmax.f32 v21, v16;
	v24 =	vmin.f32 v24, v17  }
0x1ac: {  	v62 =	vld [tilespmem:s23+$0x0];
	v23 =	vmin.f32 v23, v18;
	v22 =	vmax.f32 v22, $0.0e+00;
	v27 =	vmax.f32 v27, $0.0e+00  }
0x1ad: {  	v26 =	vmax.f32 v26, v15;
	v33 =	vmax.f32 v30, v16;
	v22 =	vmul.f32 v27, v22  }
0x1ae: {  	v34 =	vld [tilespmem:s20+$0xFFFFFFE0];
	v63 =	vmin.f32 v32, v18;
	v21 =	vsub.f32 v24, v21;
	v28 =	vmin.f32 v28, v18  }
0x1af: {  	v61 =	vsub.f32 v25, v22;
	v29 =	vmin.f32 v29, v17;
	v26 =	vsub.f32 v28, v26;
	v28 =	vld [tilespmem:s19+$0xFFFFFFE0]  }
0x1b0: {  	p5 =	sne.s32 s1, $0x1;
	v30 =	vmax.f32 v21, $0.0e+00;
	v21 =	vsub.f32 v29, v33;
	v29 =	vmax.f32 v31, v15;
	v31 =	vld [tilespmem:s19+$0xFFFFFFF0]  }
.Ltmp13:
0x1b1: {  	v40 =	vld [tilespmem:s19+$0x0];
	s20 =	simm.s32 $0x1E770;
	v27 =	vmax.f32 v60, v16;
	v25 =	vmin.f32 v62, v17;
	v24 =	vadd.f32 $9.999999710e-10, v61;
	(pc) =	sbr.rel @!p5 .LBB2_19-.Ltmp13, $4  }
0x1b2: {  	s22 =	simm.s32 $0x1E8F0;
	v36 =	vld [tilespmem:s20+$0x10];
	v25 =	vsub.f32 v25, v27;
	v26 =	vmax.f32 v26, $0.0e+00;
	v21 =	vmax.f32 v21, $0.0e+00  }
0x1b3: {  	v37 =	vld [tilespmem:s22+$0x10];
	s21 =	simm.s32 $0x1EA70;
	(erf) = vrcp.f32 v24;
	v24 =	vsub.f32 v63, v29;
	v29 =	vmax.f32 v34, v15  }
0x1b4: {  	v38 =	vld [tilespmem:s21+$0x10];
	s23 =	simm.s32 $0x1EBF0;
	v46 =	vmax.f32 v25, $0.0e+00;
	v21 =	vmul.f32 v21, v26;
	v44 =	vsub.f32 v23, v29  }
0x1b5: {  	s1 =	sadd.s32 $0xFFFFFFFF, s1;
	p2 =	por $0x1, $0x1;
	v39 =	vld [tilespmem:s23+$0x10];
	v42 =	vadd.f32 v28, v19;
	v43 =	vmax.f32 v24, $0.0e+00;
	v45 =	vadd.f32 v31, v19  }
0x1b6: {  	v25 =	vld [tilespmem:s22+$0xFFFFFFE0]  }
0x1b7: {  	v27 =	vld [tilespmem:s21+$0xFFFFFFE0]  }
0x1b8: {  	v28 =	vld [tilespmem:s23+$0xFFFFFFE0]  }
0x1b9: {  	v35 =	vld [tilespmem:s20+$0xFFFFFFF0]  }
0x1ba: {  	v24 =	vmax.f32 v44, $0.0e+00;
	v23 =	vmul.f32 v46, v43;
	v26 =	vadd.f32 v40, v19;
	v52 =	vld [tilespmem:s22+$0xFFFFFFF0]  }
0x1bb: {  	v54 =	vld [tilespmem:s21+$0xFFFFFFF0];
	v24 =	vmul.f32 v30, v24;
	v29 =	vsub.f32 v45, v21  }
0x1bc: {  	s24 =	simm.s32 $0x1ED70;
	v55 =	vld [tilespmem:s23+$0xFFFFFFF0];
	v31 =	vmax.f32 v36, v15;
	v26 =	vsub.f32 v26, v23;
	v32 =	vmax.f32 v37, v16  }
0x1bd: {  	v30 =	vld [tilespmem:s24+$0x10];
	v33 =	vsub.f32 v42, v24;
	v50 =	vmin.f32 v38, v18;
	v29 =	vadd.f32 $9.999999710e-10, v29;
	v34 =	vpop (erf)  }
0x1be: {  	v56 =	vld [tilespmem:s20+$0x0];
	v51 =	vmin.f32 v39, v17;
	v31 =	vsub.f32 v50, v31;
	v22 =	vmul.f32 v34, v22  }
0x1bf: {  	v41 =	vld [tilespmem:s20+$0xFFFFFFE0];
	v26 =	vadd.f32 $9.999999710e-10, v26;
	v32 =	vsub.f32 v51, v32  }
0x1c0: {  	v57 =	vld [tilespmem:s21+$0x0];
	v53 =	vmax.f32 v25, v16;
	v27 =	vmin.f32 v27, v18;
	v25 =	vmax.f32 v20, v22  }
0x1c1: {  	v60 =	vld [tilespmem:s24+$0xFFFFFFE0];
	v22 =	vmin.f32 v28, v17;
	v28 =	vmax.f32 v31, $0.0e+00;
	v31 =	vmax.f32 v32, $0.0e+00  }
0x1c2: {  	v61 =	vld [tilespmem:s24+$0xFFFFFFF0];
	v38 =	vsub.f32 v22, v53;
	v22 =	vmul.f32 v31, v28;
	v28 =	vadd.f32 v30, v19  }
0x1c3: {  	v58 =	vld [tilespmem:s23+$0x0];
	v33 =	vadd.f32 $9.999999710e-10, v33;
	v35 =	vmax.f32 v35, v15;
	v36 =	vmin.f32 v54, v18  }
0x1c4: {  	v59 =	vmin.f32 v55, v17;
	v63 =	vmax.f32 v41, v15;
	v31 =	vld [tilespmem:s22+$0x0];
	v28 =	vsub.f32 v28, v22  }
0x1c5: {  	v62 =	vmin.f32 v57, v18;
	v35 =	vsub.f32 v36, v35;
	v44 =	vsub.f32 v27, v63  }
0x1c6: {  	v42 =	vadd.f32 v60, v19;
	(erf) = vrcp.f32 v33;
	v28 =	vadd.f32 $9.999999710e-10, v28  }
0x1c7: {  	p5 =	sne.s32 s1, $0x1;
	v45 =	vadd.f32 v61, v19;
	v34 =	vmax.f32 v52, v16;
	(erf) = vrcp.f32 v29  }
.Ltmp14:
0x1c8: {  	s23 =	simm.s32 $0x1EC30;
	v40 =	vld [tilespmem:s24+$0x0];
	v34 =	vsub.f32 v59, v34;
	v32 =	vmax.f32 v56, v15;
	(erf) = vrcp.f32 v28;
	(pc) =	sbr.rel @!p5 .LBB2_21-.Ltmp14, $4  }
0x1c9: {  	s20 =	simm.s32 $0x1E7B0;
	v39 =	vld [tilespmem:s23+$0x10];
	v31 =	vmax.f32 v31, v16;
	(erf) = vrcp.f32 v26;
	v26 =	vmin.f32 v58, v17  }
0x1ca: {  	v36 =	vld [tilespmem:s20+$0x10];
	s22 =	simm.s32 $0x1E930;
	v32 =	vsub.f32 v62, v32;
	v31 =	vsub.f32 v26, v31  }
0x1cb: {  	s21 =	simm.s32 $0x1EAB0;
	v29 =	vmax.f32 v35, $0.0e+00;
	v37 =	vld [tilespmem:s22+$0x10];
	v30 =	vmax.f32 v38, $0.0e+00;
	v28 =	vmax.f32 v34, $0.0e+00  }
0x1cc: {  	s1 =	sadd.s32 $0xFFFFFFFF, s1;
	p3 =	por $0x1, $0x1;
	v38 =	vld [tilespmem:s21+$0x10];
	v43 =	vmax.f32 v32, $0.0e+00;
	v26 =	vmul.f32 v28, v29;
	v46 =	vmax.f32 v31, $0.0e+00  }
0x1cd: {  	v29 =	vld [tilespmem:s22+$0xFFFFFFE0]  }
0x1ce: {  	v33 =	vld [tilespmem:s21+$0xFFFFFFE0]  }
0x1cf: {  	v34 =	vld [tilespmem:s23+$0xFFFFFFE0]  }
0x1d0: {  	v60 =	vld [tilespmem:s20+$0xFFFFFFF0]  }
0x1d1: {  	v27 =	vmax.f32 v44, $0.0e+00;
	v28 =	vmul.f32 v46, v43;
	v31 =	vadd.f32 v40, v19;
	v61 =	vld [tilespmem:s22+$0xFFFFFFF0]  }
0x1d2: {  	v63 =	vld [tilespmem:s21+$0xFFFFFFF0];
	v27 =	vmul.f32 v30, v27;
	v30 =	vsub.f32 v45, v26;
	v39 =	vmin.f32 v39, v17;
	v32 =	vpop (erf)  }
0x1d3: {  	s24 =	simm.s32 $0x1EDB0;
	v48 =	vld [tilespmem:s23+$0xFFFFFFF0];
	v31 =	vsub.f32 v31, v28;
	v36 =	vmax.f32 v36, v15;
	v32 =	vmul.f32 v32, v24  }
0x1d4: {  	v58 =	vld [tilespmem:s24+$0x10];
	v35 =	vpop (erf);
	v37 =	vmax.f32 v37, v16;
	v41 =	vsub.f32 v42, v27;
	v53 =	vadd.f32 $9.999999710e-10, v30  }
0x1d5: {  	v49 =	vld [tilespmem:s20+$0x0];
	v59 =	vpop (erf);
	v38 =	vmin.f32 v38, v18;
	v37 =	vsub.f32 v39, v37;
	v31 =	vadd.f32 $9.999999710e-10, v31  }
0x1d6: {  	v52 =	vld [tilespmem:s22+$0x0];
	v22 =	vmul.f32 v59, v22;
	v36 =	vsub.f32 v38, v36;
	v62 =	vmax.f32 v29, v16  }
0x1d7: {  	v55 =	vld [tilespmem:s23+$0x0];
	v33 =	vmin.f32 v33, v18;
	v41 =	vadd.f32 $9.999999710e-10, v41;
	v34 =	vmin.f32 v34, v17  }
0x1d8: {  	v54 =	vld [tilespmem:s21+$0x0];
	v51 =	vmax.f32 v60, v15;
	v37 =	vmax.f32 v37, $0.0e+00;
	v36 =	vmax.f32 v36, $0.0e+00  }
0x1d9: {  	v50 =	vadd.f32 v58, v19;
	v29 =	vmax.f32 v25, v22;
	v22 =	vmul.f32 v37, v36  }
0x1da: {  	v42 =	vmax.f32 v61, v16;
	v39 =	vmin.f32 v63, v18;
	v57 =	vmin.f32 v48, v17  }
0x1db: {  	v56 =	vld [tilespmem:s20+$0xFFFFFFE0];
	v38 =	vmax.f32 v49, v15;
	v59 =	vmax.f32 v52, v16;
	v36 =	vsub.f32 v50, v22  }
0x1dc: {  	v63 =	vmin.f32 v55, v17;
	v34 =	vsub.f32 v34, v62;
	(erf) = vrcp.f32 v41  }
0x1dd: {  	v62 =	vmin.f32 v54, v18;
	v46 =	vsub.f32 v63, v59;
	v36 =	vadd.f32 $9.999999710e-10, v36  }
0x1de: {  	v47 =	vld [tilespmem:s24+$0xFFFFFFF0];
	v41 =	vsub.f32 v57, v42;
	v45 =	vsub.f32 v62, v38;
	(erf) = vrcp.f32 v53  }
0x1df: {  	p5 =	sne.s32 s1, $0x1;
	v58 =	vld [tilespmem:s24+$0xFFFFFFE0];
	v30 =	vmax.f32 v34, $0.0e+00;
	v34 =	vmul.f32 v35, v21;
	(erf) = vrcp.f32 v36  }
.Ltmp15:
0x1e0: {  	s21 =	simm.s32 $0x1EAF0;
	v40 =	vld [tilespmem:s24+$0x0];
	v60 =	vpop (erf);
	v37 =	vsub.f32 v39, v51;
	v35 =	vmax.f32 v56, v15;
	(erf) = vrcp.f32 v31;
	(pc) =	sbr.rel @!p5 .LBB2_23-.Ltmp15, $4  }
0x1e1: {  	s20 =	simm.s32 $0x1E7F0;
	v38 =	vld [tilespmem:s21+$0x10];
	v46 =	vmax.f32 v46, $0.0e+00;
	v61 =	vmax.f32 v41, $0.0e+00;
	v41 =	vmul.f32 v60, v23  }
0x1e2: {  	s22 =	simm.s32 $0x1E970;
	v44 =	vsub.f32 v33, v35;
	v43 =	vmax.f32 v45, $0.0e+00;
	v37 =	vmax.f32 v37, $0.0e+00;
	v36 =	vld [tilespmem:s20+$0x10]  }
0x1e3: {  	s23 =	simm.s32 $0x1EC70;
	v45 =	vadd.f32 v47, v19;
	v35 =	vmax.f32 v20, v32;
	v31 =	vmul.f32 v61, v37;
	v37 =	vld [tilespmem:s22+$0x10]  }
0x1e4: {  	s1 =	sadd.s32 $0xFFFFFFFF, s1;
	p4 =	por $0x1, $0x1;
	v39 =	vld [tilespmem:s23+$0x10];
	v32 =	vimm.f32 $0.0e+00;
	v33 =	vimm.f32 $0.0e+00;
	v42 =	vadd.f32 v58, v19  }
.LBB2_24:
0x1e5: {  	p5 =	sne.s32 s1, $0x1;
	v47 =	vld [tilespmem:s22+$0xFFFFFFE0];
	v50 =	vmax.f32 v44, $0.0e+00;
	v43 =	vmul.f32 v46, v43;
	v40 =	vadd.f32 v40, v19;
	v46 =	vpop (erf)  }
0x1e6: {  	v45 =	vsub.f32 v45, v31;
	v48 =	vld [tilespmem:s21+$0xFFFFFFE0];
	v49 =	vmul.f32 v46, v27;
	v27 =	vmul.f32 v30, v50  }
0x1e7: {  	s24 =	sadd.s32 $0x40, s24;
	v32 =	vmax.f32 v32, v34;
	v33 =	vmax.f32 v33, v41;
	v30 =	vld [tilespmem:s23+$0xFFFFFFE0];
	v40 =	vsub.f32 v40, v43;
	v44 =	vpop (erf)  }
0x1e8: {  	v34 =	vmax.f32 v36, v15;
	v36 =	vmax.f32 v37, v16;
	v37 =	vld [tilespmem:s24+$0x10];
	v41 =	vsub.f32 v42, v27;
	v42 =	vpop (erf)  }
0x1e9: {  	v38 =	vmin.f32 v38, v18;
	v39 =	vmin.f32 v39, v17;
	v46 =	vld [tilespmem:s20+$0xFFFFFFF0];
	v22 =	vmul.f32 v42, v22;
	v42 =	vpop (erf)  }
0x1ea: {  	v34 =	vsub.f32 v38, v34;
	v36 =	vsub.f32 v39, v36;
	v47 =	vmax.f32 v47, v16;
	v50 =	vld [tilespmem:s22+$0xFFFFFFF0]  }
0x1eb: {  	v41 =	vadd.f32 $9.999999710e-10, v41;
	v39 =	vmin.f32 v48, v18;
	v38 =	vld [tilespmem:s21+$0xFFFFFFF0];
	v29 =	vmax.f32 v29, v22  }
0x1ec: {  	v22 =	vmin.f32 v30, v17;
	v48 =	vld [tilespmem:s23+$0xFFFFFFF0];
	v30 =	vmax.f32 v34, $0.0e+00;
	v34 =	vmax.f32 v36, $0.0e+00  }
0x1ed: {  	v36 =	vsub.f32 v22, v47;
	v47 =	vld [tilespmem:s20+$0x0];
	v22 =	vmul.f32 v34, v30;
	v34 =	vadd.f32 v37, v19  }
0x1ee: {  	v45 =	vadd.f32 $9.999999710e-10, v45;
	v51 =	vadd.f32 $9.999999710e-10, v40;
	v37 =	vmax.f32 v46, v15;
	v46 =	vld [tilespmem:s22+$0x0]  }
0x1ef: {  	v30 =	vmax.f32 v36, $0.0e+00;
	v36 =	vmax.f32 v50, v16;
	v40 =	vld [tilespmem:s21+$0x0];
	v50 =	vsub.f32 v34, v22  }
0x1f0: {  	v34 =	vmul.f32 v44, v26;
	v26 =	vmovc v31;
	v38 =	vmin.f32 v38, v18;
	v52 =	vld [tilespmem:s23+$0x0];
	(erf) = vrcp.f32 v41  }
0x1f1: {  	v41 =	vld [tilespmem:s20+$0xFFFFFFE0];
	v31 =	vmin.f32 v48, v17;
	v37 =	vsub.f32 v38, v37;
	v38 =	vadd.f32 $9.999999710e-10, v50  }
0x1f2: {  	v48 =	vld [tilespmem:s24+$0xFFFFFFE0];
	v31 =	vsub.f32 v31, v36;
	v44 =	vmax.f32 v47, v15;
	(erf) = vrcp.f32 v45  }
0x1f3: {  	v37 =	vmax.f32 v37, $0.0e+00;
	v45 =	vld [tilespmem:s24+$0xFFFFFFF0];
	v46 =	vmax.f32 v46, v16;
	(erf) = vrcp.f32 v38  }
.Ltmp16:
0x1f4: {  	s20 =	sadd.s32 $0x40, s20;
	v31 =	vmax.f32 v31, $0.0e+00;
	v38 =	vmin.f32 v40, v18;
	v40 =	vld [tilespmem:s24+$0x0];
	(erf) = vrcp.f32 v51;
	(pc) =	sbr.rel @p5 .LBB2_24-.Ltmp16, $4  }
0x1f5: {  	s22 =	sadd.s32 $0x40, s22;
	v36 =	vld [tilespmem:s20+$0x10];
	v31 =	vmul.f32 v31, v37;
	v47 =	vmin.f32 v52, v17;
	v50 =	vsub.f32 v38, v44  }
0x1f6: {  	s21 =	sadd.s32 $0x40, s21;
	v37 =	vld [tilespmem:s22+$0x10];
	v44 =	vmax.f32 v41, v15;
	v46 =	vsub.f32 v47, v46;
	v41 =	vmul.f32 v42, v28;
	v28 =	vmovc v43  }
0x1f7: {  	s23 =	sadd.s32 $0x40, s23;
	v38 =	vld [tilespmem:s21+$0x10];
	v44 =	vsub.f32 v39, v44;
	v42 =	vadd.f32 v48, v19;
	v43 =	vmax.f32 v50, $0.0e+00  }
0x1f8: {  	s1 =	sadd.s32 $0xFFFFFFFF, s1;
	v35 =	vmax.f32 v35, v49;
	v39 =	vld [tilespmem:s23+$0x10];
	v45 =	vadd.f32 v45, v19;
	v46 =	vmax.f32 v46, $0.0e+00  }
.Ltmp17:
0x1f9: {  	_ = 	snop;
	(pc) =	sbr.rel .LBB2_25-.Ltmp17, $1  }
0x1fa: {  	_ =	sdelay $0x3  }
.LBB2_19:
.Ltmp18:
0x1fb: {  	(pc) =	sbr.rel .LBB2_25-.Ltmp18, $3  }
0x1fc: {  	_ =	sdelay $0x1  }
0x1fd: {  	v32 =	vimm.f32 $0.0e+00;
	v33 =	vimm.f32 $0.0e+00  }
0x1fe: {  	v31 =	vmovc v21;
	s24 =	simm.s32 $0x1ED30;
	v29 =	vimm.f32 $0.0e+00;
	v35 =	vimm.f32 $0.0e+00;
	v25 =	vimm.f32 $0.0e+00  }
.LBB2_21:
.Ltmp19:
0x1ff: {  	(pc) =	sbr.rel .LBB2_25-.Ltmp19, $3  }
0x200: {  	_ =	sdelay $0x1  }
0x201: {  	v27 =	vmov v24;
	v32 =	vimm.f32 $0.0e+00;
	v33 =	vimm.f32 $0.0e+00  }
0x202: {  	v29 =	vmovc v25;
	v28 =	vmovc v23;
	v35 =	vimm.f32 $0.0e+00;
	v31 =	vmov v26;
	v26 =	vmov v21  }
.LBB2_23:
.Ltmp20:
0x203: {  	(pc) =	sbr.rel .LBB2_25-.Ltmp20, $2  }
0x204: {  	_ =	sdelay $0x2  }
0x205: {  	v32 =	vimm.f32 $0.0e+00;
	v33 =	vimm.f32 $0.0e+00  }
.LBB2_29:
0x206: {  	_ =	sfence.sel $0x180000  }
0x207: {  	[bflag:$0x0] =	sbarrier.arrive $0xFFFF  }
0x208: {  	_ =	strace $0x90000047  }
0x209: {  	s0 =	stileid.u32;
	[bflag:$0x2] =	sbarrier.arrive $0xFFFF  }
0x20a: {  	p0 =	sne.s32 s0, $0x0;
	s0 =	rddreg [dreg:$0x7]  }
0x20b: {  	s0 =	sadd.s32 @!p0 $0x100000, s0  }
0x20c: {  	[sflag:s0] =	ssyncadd.tile.s32 @!p0 $0x1;
	_ =	shalt  }
.Lfunc_end2:
_tile_overlayer_lowered:
.L_overlay_start_2:
0x20d: {  	(tag) =	ssettag $0x2  }
0x20e: {  	s0 =	rddreg [dreg:$0x0];
	s2 =	stileid.u32  }
0x20f: {  	s1 =	rddreg [dreg:$0x1];
	p0 =	sne.s32 s2, $0x0  }
0x210: {  	s3 =	rddreg [dreg:$0x2];
	[bflag:$0x3] =	sbarrier.arrive $0xFFFF;
	s2 =	simm.s32 @!p0 $0x1C07  }
0x211: {  	[timem:s3], [sflag:s2] =	dma.local @!p0 [hbm:s0], s1  }
0x212: {  	s0 =	simm.s32 @!p0 $0x7  }
0x213: {  	_ =	swait.ge @!p0 [sflag:s0], s1  }
0x214: {  	s1 =	ssub.s32 @!p0 $0x0, s1;
	[sflag:s0] =	ssyncset.done @!p0 $0x0  }
0x215: {  	[sflag:s0] =	ssyncadd.s32 @!p0 s1  }
0x216: {  	[bflag:$0x3] =	sbarrier.arrive $0xFFFF  }
0x217: {  	_ =	shalt  }

</sc_bundles>
